<compile_context>
chip_gen: v7x
topology: tpu7x:2x2x1
jax: 0.10.2.dev20260603
libtpu: 0.0.44.dev20260713+nightly
codegen_flags: <defaults>
</compile_context>

<pallas_src>
import functools

import jax
import jax.numpy as jnp
from jax import lax
from jax.experimental import pallas as pl
from jax.experimental.pallas import tpu as pltpu
from jax.experimental.pallas import tpu_sc as plsc

_B = 1024
_L = 2048
_C = 1024
_T = 8
_N_AVG = 100000.0

_INV_SQRT2 = 0.7071067811865476


_KC = 512
_NK = _L // _KC


def _sim_body(out_ref, ctx_ref, crt_ref, vrt_ref, idx_ref, acc):
    k = pl.program_id(0)
    part = lax.dot_general(out_ref[...], ctx_ref[...], (((1,), (1,)), ((), ())),
                           preferred_element_type=jnp.float32)

    @pl.when(k == 0)
    def _():
        acc[...] = part

    @pl.when(k > 0)
    def _():
        acc[...] += part

    @pl.when(k == _NK - 1)
    def _():
        sim = acc[...]
        m = jnp.max(sim, axis=1, keepdims=True)
        e = jnp.exp(sim - m)
        p = e / jnp.sum(e, axis=1, keepdims=True)
        vrt_ref[...] = lax.dot_general(crt_ref[...], p, (((1,), (1,)), ((), ())),
                                       preferred_element_type=jnp.float32)
        ii = lax.broadcasted_iota(jnp.int32, sim.shape, 1)
        idx_ref[...] = jnp.min(jnp.where(sim == m, ii, jnp.int32(_C)), axis=1)


def _sim_call(out, context, context_reward_t):
    return pl.pallas_call(
        _sim_body,
        grid=(_NK,),
        in_specs=[
            pl.BlockSpec((_B, _KC), lambda k: (0, k)),
            pl.BlockSpec((_C, _KC), lambda k: (0, k)),
            pl.BlockSpec((_T, _C), lambda k: (0, 0)),
        ],
        out_specs=[
            pl.BlockSpec((_T, _B), lambda k: (0, 0)),
            pl.BlockSpec((_B,), lambda k: (0,)),
        ],
        out_shape=[
            jax.ShapeDtypeStruct((_T, _B), jnp.float32),
            jax.ShapeDtypeStruct((_B,), jnp.int32),
        ],
        scratch_shapes=[pltpu.VMEM((_B, _C), jnp.float32)],
    )(out, context, context_reward_t)


def _mlp_body(out_ref, w1_ref, b1_ref, w2t_ref, b2_ref, valt_ref, h_acc, w2b):
    k = pl.program_id(0)
    x = out_ref[...].astype(jnp.bfloat16)
    w1b = w1_ref[...].astype(jnp.bfloat16)
    part = lax.dot_general(x, w1b, (((1,), (0,)), ((), ())),
                           preferred_element_type=jnp.float32)

    @pl.when(k == 0)
    def _():
        h_acc[...] = part
        w2b[...] = w2t_ref[...].astype(jnp.bfloat16)

    @pl.when(k > 0)
    def _():
        h_acc[...] += part

    @pl.when(k == _NK - 1)
    def _():
        h = h_acc[...] + b1_ref[...]
        h = 0.5 * h * (1.0 + lax.erf(h * _INV_SQRT2))
        valt_ref[...] = lax.dot_general(w2b[...], h.astype(jnp.bfloat16),
                                        (((1,), (1,)), ((), ())),
                                        preferred_element_type=jnp.float32) + b2_ref[...]


def _mlp_call(out, W1, b1, W2_t, b2_col):
    return pl.pallas_call(
        _mlp_body,
        grid=(_NK,),
        in_specs=[
            pl.BlockSpec((_B, _KC), lambda k: (0, k)),
            pl.BlockSpec((_KC, _L), lambda k: (k, 0)),
            pl.BlockSpec((1, _L), lambda k: (0, 0)),
            pl.BlockSpec((_T, _L), lambda k: (0, 0)),
            pl.BlockSpec((_T, 1), lambda k: (0, 0)),
        ],
        out_specs=pl.BlockSpec((_T, _B), lambda k: (0, 0)),
        out_shape=jax.ShapeDtypeStruct((_T, _B), jnp.float32),
        scratch_shapes=[
            pltpu.VMEM((_B, _L), jnp.float32),
            pltpu.VMEM((_T, _L), jnp.bfloat16),
        ],
    )(out, W1, b1, W2_t, b2_col)


def _sc_update(idx, out, context):
    info = plsc.get_sparse_core_info()
    nc, ns = info.num_cores, info.num_subcores
    nw = nc * ns
    bpw = _B // nw
    ch = 8
    nch = bpw // ch
    mesh = plsc.VectorSubcoreMesh(core_axis_name="c", subcore_axis_name="s")

    @functools.partial(
        pl.kernel, mesh=mesh,
        out_type=[
            jax.ShapeDtypeStruct((_B, _L), jnp.float32),
            jax.ShapeDtypeStruct((_B, _L), jnp.float32),
        ],
        scratch_types=[
            pltpu.VMEM((bpw,), jnp.int32),
            pltpu.VMEM((2, ch, _L), jnp.float32),
            pltpu.VMEM((2, ch, _L), jnp.float32),
            pltpu.VMEM((2, ch, _L), jnp.float32),
            pltpu.SemaphoreType.DMA,
            pltpu.SemaphoreType.DMA,
            pltpu.SemaphoreType.DMA,
            pltpu.SemaphoreType.DMA,
            pltpu.SemaphoreType.DMA,
            pltpu.SemaphoreType.DMA,
            pltpu.SemaphoreType.DMA,
            pltpu.SemaphoreType.DMA,
        ],
    )
    def k(idx_hbm, out_hbm, ctx_hbm, new_hbm, qlat_hbm, idx_v, sel_v, out_v,
          res_v, g0, g1, o0, o1, w0, w1, q0, q1):
        gsem = (g0, g1)
        osem = (o0, o1)
        wsem = (w0, w1)
        qsem = (q0, q1)
        wid = lax.axis_index("s") * nc + lax.axis_index("c")
        base = wid * bpw
        pltpu.sync_copy(idx_hbm.at[pl.ds(base, bpw)], idx_v)

        def start(c):
            b = c % 2
            hg = pltpu.async_copy(
                ctx_hbm.at[idx_v.at[pl.ds(c * ch, ch)]], sel_v.at[b], gsem[b])
            ho = pltpu.async_copy(
                out_hbm.at[pl.ds(base + c * ch, ch)], out_v.at[b], osem[b])
            return hg, ho

        inflight = {0: start(0)}
        writes = {}
        qwrites = {}
        for c in range(nch):
            b = c % 2
            if c + 1 < nch:
                if c >= 1:
                    qwrites[c - 1].wait()
                inflight[c + 1] = start(c + 1)
            if c >= 2:
                writes[c - 2].wait()
            hg, ho = inflight.pop(c)
            hg.wait()
            ho.wait()
            qwrites[c] = pltpu.async_copy(
                out_v.at[b], qlat_hbm.at[pl.ds(base + c * ch, ch)], qsem[b])

            inv_n = jnp.float32(1.0 / _N_AVG)

            def body(j, carry):
                sl = pl.ds(j * 16, 16)
                for r in range(ch):
                    s = sel_v[b, r, sl]
                    t = out_v[b, r, sl]
                    res_v[b, r, sl] = s + (t - s) * inv_n
                return carry

            lax.fori_loop(0, _L // 16, body, 0)
            writes[c] = pltpu.async_copy(
                res_v.at[b], new_hbm.at[pl.ds(base + c * ch, ch)], wsem[b])
        writes[nch - 2].wait()
        writes[nch - 1].wait()
        qwrites[nch - 2].wait()
        qwrites[nch - 1].wait()

    return k(idx, out, context)


def kernel(out, n, context, context_reward, W1, b1, W2, b2):
    del n
    vr_t, idx = _sim_call(out, context, context_reward.T)
    val_t = _mlp_call(out, W1, b1.reshape(1, _L), W2.T, b2.reshape(_T, 1))
    new_context, qlat = _sc_update(idx, out, context)
    return (val_t.T, vr_t.T, qlat, new_context)

# --- scband reference (transcript-rebuilt; emitter-appended) ---
"""Pipeline reference for scband-cell-reward-32031866093750 (READ-ONLY COPY).

The authoritative reference and input builder live on the scoring server;
editing this copy changes nothing except your own understanding.
"""

import jax, jax.numpy as jnp
import numpy as np

MAIN_DIM = 2048
N_CONTEXT = 1024
N_TERMINALS = 8
N_AVG = 100000  # self.n buffer constant used in dynamic_average
BATCH = 1024


def dynamic_average_pyt(old, new, n):
    # running average: old + (new - old) / n
    return old + (new - old) / n


def setup_inputs(seed: int = 0) -> dict:
    key = jax.random.key(seed)
    ks = jax.random.split(key, 6)
    out = jax.random.normal(ks[0], (BATCH, MAIN_DIM), dtype=jnp.float32)
    # buffers (per __init__): context ~ U[0,1), context_reward = zeros
    context = jax.random.uniform(ks[1], (N_CONTEXT, MAIN_DIM), dtype=jnp.float32)
    context_reward = jnp.zeros((N_CONTEXT, N_TERMINALS), dtype=jnp.float32)
    # value_net = Linear(main_dim, main_dim) -> GELU -> Linear(main_dim, n_terminals)
    W1 = jax.random.normal(ks[2], (MAIN_DIM, MAIN_DIM), dtype=jnp.float32) * (1.0 / np.sqrt(MAIN_DIM))
    b1 = jnp.zeros((MAIN_DIM,), dtype=jnp.float32)
    W2 = jax.random.normal(ks[3], (MAIN_DIM, N_TERMINALS), dtype=jnp.float32) * (1.0 / np.sqrt(MAIN_DIM))
    b2 = jnp.zeros((N_TERMINALS,), dtype=jnp.float32)
    return {"out": out, "n": 50, "context": context, "context_reward": context_reward,
            "W1": W1, "b1": b1, "W2": W2, "b2": b2}


def reference(out, n, context, context_reward, W1, b1, W2, b2):
    # value = value_net(out)
    h = jax.nn.gelu(out @ W1 + b1, approximate=False)
    value = h @ W2 + b2
    # no_grad block
    out_ng = jax.lax.stop_gradient(out)
    sim_mm = jnp.einsum('bl,cl->bc', out_ng, context)          # B x ctx
    sim = jax.nn.softmax(sim_mm, axis=1)
    value_reward = jnp.einsum('bc,ct->bt', sim, context_reward)  # B x term
    value_reward = jax.lax.stop_gradient(value_reward)
    # store_context: for each batch row i, context[i] = dyn_avg(context[argmax_i], out[i], N_AVG)
    ctxmax = jnp.argmax(sim_mm, axis=1)                        # B
    sel = jnp.take(context, ctxmax, axis=0)                    # B x L (gather)
    new_rows = dynamic_average_pyt(sel, out_ng, N_AVG)
    new_context = context.at[jnp.arange(out.shape[0])].set(new_rows)  # scatter-overwrite
    new_context = jax.lax.stop_gradient(new_context)
    # use_q == False path: qlat = out; to_train = [(value, value_reward)]
    qlat = out
    return (value, value_reward, qlat, new_context)

if __name__ == "__main__":
    import jax
    _d = setup_inputs()
    print(jax.jit(kernel)(*tuple(_d.values())))

</pallas_src>

<mosaic_0001>
#map = affine_map<(d0, d1) -> (0)>
#map1 = affine_map<(d0, d1) -> (0, 0)>
module attributes {stable_mosaic.version = 14 : i64} {
  func.func @k(%arg0: i32, %arg1: i32, %arg2: memref<1024xi32, #tpu.memory_space<hbm>>, %arg3: memref<1024x2048xf32, #tpu.memory_space<hbm>>, %arg4: memref<1024x2048xf32, #tpu.memory_space<hbm>>, %arg5: memref<1024x2048xf32, #tpu.memory_space<hbm>>, %arg6: memref<1024x2048xf32, #tpu.memory_space<hbm>>, %arg7: memref<32xi32, #tpu.memory_space<vmem>>, %arg8: memref<2x8x2048xf32, #tpu.memory_space<vmem>>, %arg9: memref<2x8x2048xf32, #tpu.memory_space<vmem>>, %arg10: memref<2x8x2048xf32, #tpu.memory_space<vmem>>, %arg11: memref<!tpu.dma_semaphore, #tpu.memory_space<semaphore_mem>>, %arg12: memref<!tpu.dma_semaphore, #tpu.memory_space<semaphore_mem>>, %arg13: memref<!tpu.dma_semaphore, #tpu.memory_space<semaphore_mem>>, %arg14: memref<!tpu.dma_semaphore, #tpu.memory_space<semaphore_mem>>, %arg15: memref<!tpu.dma_semaphore, #tpu.memory_space<semaphore_mem>>, %arg16: memref<!tpu.dma_semaphore, #tpu.memory_space<semaphore_mem>>, %arg17: memref<!tpu.dma_semaphore, #tpu.memory_space<semaphore_mem>>, %arg18: memref<!tpu.dma_semaphore, #tpu.memory_space<semaphore_mem>>) attributes {dimension_semantics = [#tpu.dimension_semantics<core_parallel>, #tpu.dimension_semantics<subcore_parallel>], iteration_bounds = array<i64: 2, 16>, scalar_prefetch = 0 : i64, scratch_operands = 12 : i64, tpu.core_type = #tpu.core_type<sc_vector_subcore>, window_params = [{transform_indices = #map}, {transform_indices = #map1}, {transform_indices = #map1}, {transform_indices = #map1}, {transform_indices = #map1}]} {
    %mul3A = arith.constant 2 : i32
    %mul3A_0 = arith.muli %arg1, %mul3A : i32
    %add3A = arith.addi %mul3A_0, %arg0 : i32
    %mul3A_1 = arith.constant 32 : i32
    %mul3A_2 = arith.muli %add3A, %mul3A_1 : i32
    "tpu.region"() ({
      %run_scoped3A = tpu.sem_alloc : memref<!tpu.dma_semaphore, #tpu.memory_space<semaphore_mem>>
      %dma_start3A_444 = tpu.memref_slice %arg2[%mul3A_2] : memref<1024xi32, #tpu.memory_space<hbm>> -> memref<32xi32, #tpu.memory_space<hbm>>
      %dma_start3A_445 = tpu.memref_slice %arg2[%mul3A_2] : memref<1024xi32, #tpu.memory_space<hbm>> -> memref<32xi32, #tpu.memory_space<hbm>>
      tpu.enqueue_dma source(%dma_start3A_445 : memref<32xi32, #tpu.memory_space<hbm>>) target(%arg7 : memref<32xi32, #tpu.memory_space<vmem>>) target_semaphore(%run_scoped3A : memref<!tpu.dma_semaphore, #tpu.memory_space<semaphore_mem>>)
      %dma_wait3A_446 = tpu.memref_slice %arg2[%mul3A_2] : memref<1024xi32, #tpu.memory_space<hbm>> -> memref<32xi32, #tpu.memory_space<hbm>>
      %dma_wait3A_447 = tpu.memref_slice %arg2[%mul3A_2] : memref<1024xi32, #tpu.memory_space<hbm>> -> memref<32xi32, #tpu.memory_space<hbm>>
      tpu.wait_dma2 semaphore(%run_scoped3A : memref<!tpu.dma_semaphore, #tpu.memory_space<semaphore_mem>>) src(%dma_wait3A_447 : memref<32xi32, #tpu.memory_space<hbm>>) dst(%arg7 : memref<32xi32, #tpu.memory_space<vmem>>)
      tpu.yield
    }) : () -> ()
    %dma_start3A = arith.constant 0 : i32
    %dma_start3A_3 = arith.constant 0 : i32
    %dma_start3A_4 = arith.constant 0 : i32
    %dma_start3A_5 = tpu.memref_slice %arg8[%dma_start3A, %dma_start3A_3, %dma_start3A_4] : memref<2x8x2048xf32, #tpu.memory_space<vmem>> -> memref<1x8x2048xf32, #tpu.memory_space<vmem>>
    %dma_start3A_6 = tpu.memref_squeeze %dma_start3A_5 : memref<1x8x2048xf32, #tpu.memory_space<vmem>> -> memref<8x2048xf32, #tpu.memory_space<vmem>>
    %dma_start3A_7 = arith.constant 0 : i32
    %dma_start3A_8 = tpu.memref_slice %arg7[%dma_start3A_7] : memref<32xi32, #tpu.memory_space<vmem>> -> memref<8xi32, #tpu.memory_space<vmem>>
    %dma_start3A_9 = arith.constant 0 : i32
    %dma_start3A_10 = arith.constant 0 : i32
    %dma_start3A_11 = tpu.memref_slice %arg4[%dma_start3A_9, %dma_start3A_10] : memref<1024x2048xf32, #tpu.memory_space<hbm>> -> memref<1024x2048xf32, #tpu.memory_space<hbm>>
    tpu.enqueue_indirect_dma source(%dma_start3A_11 : memref<1024x2048xf32, #tpu.memory_space<hbm>>) target(%dma_start3A_6 : memref<8x2048xf32, #tpu.memory_space<vmem>>) offsets(%dma_start3A_8 : memref<8xi32, #tpu.memory_space<vmem>>) semaphore(%arg11 : memref<!tpu.dma_semaphore, #tpu.memory_space<semaphore_mem>>)
    %add3A_12 = arith.constant 0 : i32
    %add3A_13 = arith.addi %mul3A_2, %add3A_12 : i32
    %dma_start3A_14 = arith.constant 0 : i32
    %dma_start3A_15 = arith.constant 0 : i32
    %dma_start3A_16 = arith.constant 0 : i32
    %dma_start3A_17 = tpu.memref_slice %arg9[%dma_start3A_14, %dma_start3A_15, %dma_start3A_16] : memref<2x8x2048xf32, #tpu.memory_space<vmem>> -> memref<1x8x2048xf32, #tpu.memory_space<vmem>>
    %dma_start3A_18 = tpu.memref_squeeze %dma_start3A_17 : memref<1x8x2048xf32, #tpu.memory_space<vmem>> -> memref<8x2048xf32, #tpu.memory_space<vmem>>
    %dma_start3A_19 = arith.constant 0 : i32
    %dma_start3A_20 = tpu.memref_slice %arg3[%add3A_13, %dma_start3A_19] : memref<1024x2048xf32, #tpu.memory_space<hbm>> -> memref<8x2048xf32, #tpu.memory_space<hbm>>
    %dma_start3A_21 = arith.constant 0 : i32
    %dma_start3A_22 = arith.constant 0 : i32
    %dma_start3A_23 = tpu.memref_slice %arg9[%dma_start3A_14, %dma_start3A_21, %dma_start3A_22] : memref<2x8x2048xf32, #tpu.memory_space<vmem>> -> memref<1x8x2048xf32, #tpu.memory_space<vmem>>
    %dma_start3A_24 = tpu.memref_squeeze %dma_start3A_23 : memref<1x8x2048xf32, #tpu.memory_space<vmem>> -> memref<8x2048xf32, #tpu.memory_space<vmem>>
    %dma_start3A_25 = arith.constant 0 : i32
    %dma_start3A_26 = tpu.memref_slice %arg3[%add3A_13, %dma_start3A_25] : memref<1024x2048xf32, #tpu.memory_space<hbm>> -> memref<8x2048xf32, #tpu.memory_space<hbm>>
    tpu.enqueue_dma source(%dma_start3A_26 : memref<8x2048xf32, #tpu.memory_space<hbm>>) target(%dma_start3A_24 : memref<8x2048xf32, #tpu.memory_space<vmem>>) target_semaphore(%arg13 : memref<!tpu.dma_semaphore, #tpu.memory_space<semaphore_mem>>)
    %dma_start3A_27 = arith.constant 1 : i32
    %dma_start3A_28 = arith.constant 0 : i32
    %dma_start3A_29 = arith.constant 0 : i32
    %dma_start3A_30 = tpu.memref_slice %arg8[%dma_start3A_27, %dma_start3A_28, %dma_start3A_29] : memref<2x8x2048xf32, #tpu.memory_space<vmem>> -> memref<1x8x2048xf32, #tpu.memory_space<vmem>>
    %dma_start3A_31 = tpu.memref_squeeze %dma_start3A_30 : memref<1x8x2048xf32, #tpu.memory_space<vmem>> -> memref<8x2048xf32, #tpu.memory_space<vmem>>
    %dma_start3A_32 = arith.constant 8 : i32
    %dma_start3A_33 = tpu.memref_slice %arg7[%dma_start3A_32] : memref<32xi32, #tpu.memory_space<vmem>> -> memref<8xi32, #tpu.memory_space<vmem>>
    %dma_start3A_34 = arith.constant 0 : i32
    %dma_start3A_35 = arith.constant 0 : i32
    %dma_start3A_36 = tpu.memref_slice %arg4[%dma_start3A_34, %dma_start3A_35] : memref<1024x2048xf32, #tpu.memory_space<hbm>> -> memref<1024x2048xf32, #tpu.memory_space<hbm>>
    tpu.enqueue_indirect_dma source(%dma_start3A_36 : memref<1024x2048xf32, #tpu.memory_space<hbm>>) target(%dma_start3A_31 : memref<8x2048xf32, #tpu.memory_space<vmem>>) offsets(%dma_start3A_33 : memref<8xi32, #tpu.memory_space<vmem>>) semaphore(%arg12 : memref<!tpu.dma_semaphore, #tpu.memory_space<semaphore_mem>>)
    %add3A_37 = arith.constant 8 : i32
    %add3A_38 = arith.addi %mul3A_2, %add3A_37 : i32
    %dma_start3A_39 = arith.constant 1 : i32
    %dma_start3A_40 = arith.constant 0 : i32
    %dma_start3A_41 = arith.constant 0 : i32
    %dma_start3A_42 = tpu.memref_slice %arg9[%dma_start3A_39, %dma_start3A_40, %dma_start3A_41] : memref<2x8x2048xf32, #tpu.memory_space<vmem>> -> memref<1x8x2048xf32, #tpu.memory_space<vmem>>
    %dma_start3A_43 = tpu.memref_squeeze %dma_start3A_42 : memref<1x8x2048xf32, #tpu.memory_space<vmem>> -> memref<8x2048xf32, #tpu.memory_space<vmem>>
    %dma_start3A_44 = arith.constant 0 : i32
    %dma_start3A_45 = tpu.memref_slice %arg3[%add3A_38, %dma_start3A_44] : memref<1024x2048xf32, #tpu.memory_space<hbm>> -> memref<8x2048xf32, #tpu.memory_space<hbm>>
    %dma_start3A_46 = arith.constant 0 : i32
    %dma_start3A_47 = arith.constant 0 : i32
    %dma_start3A_48 = tpu.memref_slice %arg9[%dma_start3A_39, %dma_start3A_46, %dma_start3A_47] : memref<2x8x2048xf32, #tpu.memory_space<vmem>> -> memref<1x8x2048xf32, #tpu.memory_space<vmem>>
    %dma_start3A_49 = tpu.memref_squeeze %dma_start3A_48 : memref<1x8x2048xf32, #tpu.memory_space<vmem>> -> memref<8x2048xf32, #tpu.memory_space<vmem>>
    %dma_start3A_50 = arith.constant 0 : i32
    %dma_start3A_51 = tpu.memref_slice %arg3[%add3A_38, %dma_start3A_50] : memref<1024x2048xf32, #tpu.memory_space<hbm>> -> memref<8x2048xf32, #tpu.memory_space<hbm>>
    tpu.enqueue_dma source(%dma_start3A_51 : memref<8x2048xf32, #tpu.memory_space<hbm>>) target(%dma_start3A_49 : memref<8x2048xf32, #tpu.memory_space<vmem>>) target_semaphore(%arg14 : memref<!tpu.dma_semaphore, #tpu.memory_space<semaphore_mem>>)
    %dma_wait3A = arith.constant 0 : i32
    %dma_wait3A_52 = arith.constant 0 : i32
    %dma_wait3A_53 = arith.constant 0 : i32
    %dma_wait3A_54 = tpu.memref_slice %arg8[%dma_wait3A, %dma_wait3A_52, %dma_wait3A_53] : memref<2x8x2048xf32, #tpu.memory_space<vmem>> -> memref<1x8x2048xf32, #tpu.memory_space<vmem>>
    %dma_wait3A_55 = tpu.memref_squeeze %dma_wait3A_54 : memref<1x8x2048xf32, #tpu.memory_space<vmem>> -> memref<8x2048xf32, #tpu.memory_space<vmem>>
    %dma_wait3A_56 = arith.constant 0 : i32
    %dma_wait3A_57 = tpu.memref_slice %arg7[%dma_wait3A_56] : memref<32xi32, #tpu.memory_space<vmem>> -> memref<8xi32, #tpu.memory_space<vmem>>
    %dma_wait3A_58 = arith.constant 0 : i32
    %dma_wait3A_59 = arith.constant 0 : i32
    %dma_wait3A_60 = tpu.memref_slice %arg4[%dma_wait3A_58, %dma_wait3A_59] : memref<1024x2048xf32, #tpu.memory_space<hbm>> -> memref<1024x2048xf32, #tpu.memory_space<hbm>>
    tpu.wait_indirect_dma semaphore(%arg11 : memref<!tpu.dma_semaphore, #tpu.memory_space<semaphore_mem>>) src(%dma_wait3A_60 : memref<1024x2048xf32, #tpu.memory_space<hbm>>) dst(%dma_wait3A_55 : memref<8x2048xf32, #tpu.memory_space<vmem>>)
    %dma_wait3A_61 = arith.constant 0 : i32
    %dma_wait3A_62 = arith.constant 0 : i32
    %dma_wait3A_63 = arith.constant 0 : i32
    %dma_wait3A_64 = tpu.memref_slice %arg9[%dma_wait3A_61, %dma_wait3A_62, %dma_wait3A_63] : memref<2x8x2048xf32, #tpu.memory_space<vmem>> -> memref<1x8x2048xf32, #tpu.memory_space<vmem>>
    %dma_wait3A_65 = tpu.memref_squeeze %dma_wait3A_64 : memref<1x8x2048xf32, #tpu.memory_space<vmem>> -> memref<8x2048xf32, #tpu.memory_space<vmem>>
    %dma_wait3A_66 = arith.constant 0 : i32
    %dma_wait3A_67 = tpu.memref_slice %arg3[%add3A_13, %dma_wait3A_66] : memref<1024x2048xf32, #tpu.memory_space<hbm>> -> memref<8x2048xf32, #tpu.memory_space<hbm>>
    %dma_wait3A_68 = arith.constant 0 : i32
    %dma_wait3A_69 = arith.constant 0 : i32
    %dma_wait3A_70 = tpu.memref_slice %arg9[%dma_wait3A_61, %dma_wait3A_68, %dma_wait3A_69] : memref<2x8x2048xf32, #tpu.memory_space<vmem>> -> memref<1x8x2048xf32, #tpu.memory_space<vmem>>
    %dma_wait3A_71 = tpu.memref_squeeze %dma_wait3A_70 : memref<1x8x2048xf32, #tpu.memory_space<vmem>> -> memref<8x2048xf32, #tpu.memory_space<vmem>>
    %dma_wait3A_72 = arith.constant 0 : i32
    %dma_wait3A_73 = tpu.memref_slice %arg3[%add3A_13, %dma_wait3A_72] : memref<1024x2048xf32, #tpu.memory_space<hbm>> -> memref<8x2048xf32, #tpu.memory_space<hbm>>
    tpu.wait_dma2 semaphore(%arg13 : memref<!tpu.dma_semaphore, #tpu.memory_space<semaphore_mem>>) src(%dma_wait3A_73 : memref<8x2048xf32, #tpu.memory_space<hbm>>) dst(%dma_wait3A_71 : memref<8x2048xf32, #tpu.memory_space<vmem>>)
    %add3A_74 = arith.constant 0 : i32
    %add3A_75 = arith.addi %mul3A_2, %add3A_74 : i32
    %dma_start3A_76 = arith.constant 0 : i32
    %dma_start3A_77 = arith.constant 0 : i32
    %dma_start3A_78 = arith.constant 0 : i32
    %dma_start3A_79 = tpu.memref_slice %arg9[%dma_start3A_76, %dma_start3A_77, %dma_start3A_78] : memref<2x8x2048xf32, #tpu.memory_space<vmem>> -> memref<1x8x2048xf32, #tpu.memory_space<vmem>>
    %dma_start3A_80 = tpu.memref_squeeze %dma_start3A_79 : memref<1x8x2048xf32, #tpu.memory_space<vmem>> -> memref<8x2048xf32, #tpu.memory_space<vmem>>
    %dma_start3A_81 = arith.constant 0 : i32
    %dma_start3A_82 = tpu.memref_slice %arg6[%add3A_75, %dma_start3A_81] : memref<1024x2048xf32, #tpu.memory_space<hbm>> -> memref<8x2048xf32, #tpu.memory_space<hbm>>
    %dma_start3A_83 = arith.constant 0 : i32
    %dma_start3A_84 = tpu.memref_slice %arg6[%add3A_75, %dma_start3A_83] : memref<1024x2048xf32, #tpu.memory_space<hbm>> -> memref<8x2048xf32, #tpu.memory_space<hbm>>
    %dma_start3A_85 = arith.constant 0 : i32
    %dma_start3A_86 = arith.constant 0 : i32
    %dma_start3A_87 = tpu.memref_slice %arg9[%dma_start3A_76, %dma_start3A_85, %dma_start3A_86] : memref<2x8x2048xf32, #tpu.memory_space<vmem>> -> memref<1x8x2048xf32, #tpu.memory_space<vmem>>
    %dma_start3A_88 = tpu.memref_squeeze %dma_start3A_87 : memref<1x8x2048xf32, #tpu.memory_space<vmem>> -> memref<8x2048xf32, #tpu.memory_space<vmem>>
    tpu.enqueue_dma source(%dma_start3A_88 : memref<8x2048xf32, #tpu.memory_space<vmem>>) target(%dma_start3A_84 : memref<8x2048xf32, #tpu.memory_space<hbm>>) target_semaphore(%arg17 : memref<!tpu.dma_semaphore, #tpu.memory_space<semaphore_mem>>)
    %scan3A = arith.constant 0 : i32
    %scan3A_89 = arith.constant 9.99999974E-6 : f32
    %scan3A_90 = arith.constant 0 : i32
    %scan3A_91 = arith.constant 128 : i32
    %scan3A_92 = arith.addi %scan3A_90, %scan3A_91 : i32
    %scan3A_93 = arith.constant 1 : i32
    scf.for %scan3A_444 = %scan3A_90 to %scan3A_92 step %scan3A_93  : i32 {
      %mul3A_445 = arith.constant 16 : i32
      %mul3A_446 = arith.muli %scan3A_444, %mul3A_445 : i32
      %get3A = arith.constant 0 : i32
      %get3A_447 = arith.constant 0 : i32
      %get3A_448 = arith.index_cast %get3A : i32 to index
      %get3A_449 = arith.index_cast %get3A_447 : i32 to index
      %get3A_450 = arith.index_cast %mul3A_446 : i32 to index
      %get3A_451 = tpu.vector_load %arg8[%get3A_448, %get3A_449, %get3A_450] {strides = array<i32>} : memref<2x8x2048xf32, #tpu.memory_space<vmem>>, vector<1x1x16xf32>,
      %get3A_452 = vector.shape_cast %get3A_451 : vector<1x1x16xf32> to vector<16xf32>
      %get3A_453 = arith.constant 0 : i32
      %get3A_454 = arith.constant 0 : i32
      %get3A_455 = arith.index_cast %get3A_453 : i32 to index
      %get3A_456 = arith.index_cast %get3A_454 : i32 to index
      %get3A_457 = arith.index_cast %mul3A_446 : i32 to index
      %get3A_458 = tpu.vector_load %arg9[%get3A_455, %get3A_456, %get3A_457] {strides = array<i32>} : memref<2x8x2048xf32, #tpu.memory_space<vmem>>, vector<1x1x16xf32>,
      %get3A_459 = vector.shape_cast %get3A_458 : vector<1x1x16xf32> to vector<16xf32>
      %sub3A = arith.subf %get3A_459, %get3A_452 : vector<16xf32>
      %mul3A_460 = vector.broadcast %scan3A_89 : f32 to vector<16xf32>
      %mul3A_461 = arith.mulf %sub3A, %mul3A_460 : vector<16xf32>
      %add3A_462 = arith.addf %get3A_452, %mul3A_461 : vector<16xf32>
      %swap3A = arith.constant 0 : i32
      %swap3A_463 = arith.constant 0 : i32
      %swap3A_464 = arith.index_cast %swap3A : i32 to index
      %swap3A_465 = arith.index_cast %swap3A_463 : i32 to index
      %swap3A_466 = arith.index_cast %mul3A_446 : i32 to index
      %swap3A_467 = tpu.vector_load %arg10[%swap3A_464, %swap3A_465, %swap3A_466] {strides = array<i32>} : memref<2x8x2048xf32, #tpu.memory_space<vmem>>, vector<1x1x16xf32>,
      %swap3A_468 = vector.shape_cast %swap3A_467 : vector<1x1x16xf32> to vector<16xf32>
      %swap3A_469 = vector.shape_cast %add3A_462 : vector<16xf32> to vector<1x1x16xf32>
      tpu.vector_store %arg10[%swap3A_464, %swap3A_465, %swap3A_466], %swap3A_469 {strides = array<i32>} : memref<2x8x2048xf32, #tpu.memory_space<vmem>>, vector<1x1x16xf32>,
      %get3A_470 = arith.constant 0 : i32
      %get3A_471 = arith.constant 1 : i32
      %get3A_472 = arith.index_cast %get3A_470 : i32 to index
      %get3A_473 = arith.index_cast %get3A_471 : i32 to index
      %get3A_474 = arith.index_cast %mul3A_446 : i32 to index
      %get3A_475 = tpu.vector_load %arg8[%get3A_472, %get3A_473, %get3A_474] {strides = array<i32>} : memref<2x8x2048xf32, #tpu.memory_space<vmem>>, vector<1x1x16xf32>,
      %get3A_476 = vector.shape_cast %get3A_475 : vector<1x1x16xf32> to vector<16xf32>
      %get3A_477 = arith.constant 0 : i32
      %get3A_478 = arith.constant 1 : i32
      %get3A_479 = arith.index_cast %get3A_477 : i32 to index
      %get3A_480 = arith.index_cast %get3A_478 : i32 to index
      %get3A_481 = arith.index_cast %mul3A_446 : i32 to index
      %get3A_482 = tpu.vector_load %arg9[%get3A_479, %get3A_480, %get3A_481] {strides = array<i32>} : memref<2x8x2048xf32, #tpu.memory_space<vmem>>, vector<1x1x16xf32>,
      %get3A_483 = vector.shape_cast %get3A_482 : vector<1x1x16xf32> to vector<16xf32>
      %sub3A_484 = arith.subf %get3A_483, %get3A_476 : vector<16xf32>
      %mul3A_485 = vector.broadcast %scan3A_89 : f32 to vector<16xf32>
      %mul3A_486 = arith.mulf %sub3A_484, %mul3A_485 : vector<16xf32>
      %add3A_487 = arith.addf %get3A_476, %mul3A_486 : vector<16xf32>
      %swap3A_488 = arith.constant 0 : i32
      %swap3A_489 = arith.constant 1 : i32
      %swap3A_490 = arith.index_cast %swap3A_488 : i32 to index
      %swap3A_491 = arith.index_cast %swap3A_489 : i32 to index
      %swap3A_492 = arith.index_cast %mul3A_446 : i32 to index
      %swap3A_493 = tpu.vector_load %arg10[%swap3A_490, %swap3A_491, %swap3A_492] {strides = array<i32>} : memref<2x8x2048xf32, #tpu.memory_space<vmem>>, vector<1x1x16xf32>,
      %swap3A_494 = vector.shape_cast %swap3A_493 : vector<1x1x16xf32> to vector<16xf32>
      %swap3A_495 = vector.shape_cast %add3A_487 : vector<16xf32> to vector<1x1x16xf32>
      tpu.vector_store %arg10[%swap3A_490, %swap3A_491, %swap3A_492], %swap3A_495 {strides = array<i32>} : memref<2x8x2048xf32, #tpu.memory_space<vmem>>, vector<1x1x16xf32>,
      %get3A_496 = arith.constant 0 : i32
      %get3A_497 = arith.constant 2 : i32
      %get3A_498 = arith.index_cast %get3A_496 : i32 to index
      %get3A_499 = arith.index_cast %get3A_497 : i32 to index
      %get3A_500 = arith.index_cast %mul3A_446 : i32 to index
      %get3A_501 = tpu.vector_load %arg8[%get3A_498, %get3A_499, %get3A_500] {strides = array<i32>} : memref<2x8x2048xf32, #tpu.memory_space<vmem>>, vector<1x1x16xf32>,
      %get3A_502 = vector.shape_cast %get3A_501 : vector<1x1x16xf32> to vector<16xf32>
      %get3A_503 = arith.constant 0 : i32
      %get3A_504 = arith.constant 2 : i32
      %get3A_505 = arith.index_cast %get3A_503 : i32 to index
      %get3A_506 = arith.index_cast %get3A_504 : i32 to index
      %get3A_507 = arith.index_cast %mul3A_446 : i32 to index
      %get3A_508 = tpu.vector_load %arg9[%get3A_505, %get3A_506, %get3A_507] {strides = array<i32>} : memref<2x8x2048xf32, #tpu.memory_space<vmem>>, vector<1x1x16xf32>,
      %get3A_509 = vector.shape_cast %get3A_508 : vector<1x1x16xf32> to vector<16xf32>
      %sub3A_510 = arith.subf %get3A_509, %get3A_502 : vector<16xf32>
      %mul3A_511 = vector.broadcast %scan3A_89 : f32 to vector<16xf32>
      %mul3A_512 = arith.mulf %sub3A_510, %mul3A_511 : vector<16xf32>
      %add3A_513 = arith.addf %get3A_502, %mul3A_512 : vector<16xf32>
      %swap3A_514 = arith.constant 0 : i32
      %swap3A_515 = arith.constant 2 : i32
      %swap3A_516 = arith.index_cast %swap3A_514 : i32 to index
      %swap3A_517 = arith.index_cast %swap3A_515 : i32 to index
      %swap3A_518 = arith.index_cast %mul3A_446 : i32 to index
      %swap3A_519 = tpu.vector_load %arg10[%swap3A_516, %swap3A_517, %swap3A_518] {strides = array<i32>} : memref<2x8x2048xf32, #tpu.memory_space<vmem>>, vector<1x1x16xf32>,
      %swap3A_520 = vector.shape_cast %swap3A_519 : vector<1x1x16xf32> to vector<16xf32>
      %swap3A_521 = vector.shape_cast %add3A_513 : vector<16xf32> to vector<1x1x16xf32>
      tpu.vector_store %arg10[%swap3A_516, %swap3A_517, %swap3A_518], %swap3A_521 {strides = array<i32>} : memref<2x8x2048xf32, #tpu.memory_space<vmem>>, vector<1x1x16xf32>,
      %get3A_522 = arith.constant 0 : i32
      %get3A_523 = arith.constant 3 : i32
      %get3A_524 = arith.index_cast %get3A_522 : i32 to index
      %get3A_525 = arith.index_cast %get3A_523 : i32 to index
      %get3A_526 = arith.index_cast %mul3A_446 : i32 to index
      %get3A_527 = tpu.vector_load %arg8[%get3A_524, %get3A_525, %get3A_526] {strides = array<i32>} : memref<2x8x2048xf32, #tpu.memory_space<vmem>>, vector<1x1x16xf32>,
      %get3A_528 = vector.shape_cast %get3A_527 : vector<1x1x16xf32> to vector<16xf32>
      %get3A_529 = arith.constant 0 : i32
      %get3A_530 = arith.constant 3 : i32
      %get3A_531 = arith.index_cast %get3A_529 : i32 to index
      %get3A_532 = arith.index_cast %get3A_530 : i32 to index
      %get3A_533 = arith.index_cast %mul3A_446 : i32 to index
      %get3A_534 = tpu.vector_load %arg9[%get3A_531, %get3A_532, %get3A_533] {strides = array<i32>} : memref<2x8x2048xf32, #tpu.memory_space<vmem>>, vector<1x1x16xf32>,
      %get3A_535 = vector.shape_cast %get3A_534 : vector<1x1x16xf32> to vector<16xf32>
      %sub3A_536 = arith.subf %get3A_535, %get3A_528 : vector<16xf32>
      %mul3A_537 = vector.broadcast %scan3A_89 : f32 to vector<16xf32>
      %mul3A_538 = arith.mulf %sub3A_536, %mul3A_537 : vector<16xf32>
      %add3A_539 = arith.addf %get3A_528, %mul3A_538 : vector<16xf32>
      %swap3A_540 = arith.constant 0 : i32
      %swap3A_541 = arith.constant 3 : i32
      %swap3A_542 = arith.index_cast %swap3A_540 : i32 to index
      %swap3A_543 = arith.index_cast %swap3A_541 : i32 to index
      %swap3A_544 = arith.index_cast %mul3A_446 : i32 to index
      %swap3A_545 = tpu.vector_load %arg10[%swap3A_542, %swap3A_543, %swap3A_544] {strides = array<i32>} : memref<2x8x2048xf32, #tpu.memory_space<vmem>>, vector<1x1x16xf32>,
      %swap3A_546 = vector.shape_cast %swap3A_545 : vector<1x1x16xf32> to vector<16xf32>
      %swap3A_547 = vector.shape_cast %add3A_539 : vector<16xf32> to vector<1x1x16xf32>
      tpu.vector_store %arg10[%swap3A_542, %swap3A_543, %swap3A_544], %swap3A_547 {strides = array<i32>} : memref<2x8x2048xf32, #tpu.memory_space<vmem>>, vector<1x1x16xf32>,
      %get3A_548 = arith.constant 0 : i32
      %get3A_549 = arith.constant 4 : i32
      %get3A_550 = arith.index_cast %get3A_548 : i32 to index
      %get3A_551 = arith.index_cast %get3A_549 : i32 to index
      %get3A_552 = arith.index_cast %mul3A_446 : i32 to index
      %get3A_553 = tpu.vector_load %arg8[%get3A_550, %get3A_551, %get3A_552] {strides = array<i32>} : memref<2x8x2048xf32, #tpu.memory_space<vmem>>, vector<1x1x16xf32>,
      %get3A_554 = vector.shape_cast %get3A_553 : vector<1x1x16xf32> to vector<16xf32>
      %get3A_555 = arith.constant 0 : i32
      %get3A_556 = arith.constant 4 : i32
      %get3A_557 = arith.index_cast %get3A_555 : i32 to index
      %get3A_558 = arith.index_cast %get3A_556 : i32 to index
      %get3A_559 = arith.index_cast %mul3A_446 : i32 to index
      %get3A_560 = tpu.vector_load %arg9[%get3A_557, %get3A_558, %get3A_559] {strides = array<i32>} : memref<2x8x2048xf32, #tpu.memory_space<vmem>>, vector<1x1x16xf32>,
      %get3A_561 = vector.shape_cast %get3A_560 : vector<1x1x16xf32> to vector<16xf32>
      %sub3A_562 = arith.subf %get3A_561, %get3A_554 : vector<16xf32>
      %mul3A_563 = vector.broadcast %scan3A_89 : f32 to vector<16xf32>
      %mul3A_564 = arith.mulf %sub3A_562, %mul3A_563 : vector<16xf32>
      %add3A_565 = arith.addf %get3A_554, %mul3A_564 : vector<16xf32>
      %swap3A_566 = arith.constant 0 : i32
      %swap3A_567 = arith.constant 4 : i32
      %swap3A_568 = arith.index_cast %swap3A_566 : i32 to index
      %swap3A_569 = arith.index_cast %swap3A_567 : i32 to index
      %swap3A_570 = arith.index_cast %mul3A_446 : i32 to index
      %swap3A_571 = tpu.vector_load %arg10[%swap3A_568, %swap3A_569, %swap3A_570] {strides = array<i32>} : memref<2x8x2048xf32, #tpu.memory_space<vmem>>, vector<1x1x16xf32>,
      %swap3A_572 = vector.shape_cast %swap3A_571 : vector<1x1x16xf32> to vector<16xf32>
      %swap3A_573 = vector.shape_cast %add3A_565 : vector<16xf32> to vector<1x1x16xf32>
      tpu.vector_store %arg10[%swap3A_568, %swap3A_569, %swap3A_570], %swap3A_573 {strides = array<i32>} : memref<2x8x2048xf32, #tpu.memory_space<vmem>>, vector<1x1x16xf32>,
      %get3A_574 = arith.constant 0 : i32
      %get3A_575 = arith.constant 5 : i32
      %get3A_576 = arith.index_cast %get3A_574 : i32 to index
      %get3A_577 = arith.index_cast %get3A_575 : i32 to index
      %get3A_578 = arith.index_cast %mul3A_446 : i32 to index
      %get3A_579 = tpu.vector_load %arg8[%get3A_576, %get3A_577, %get3A_578] {strides = array<i32>} : memref<2x8x2048xf32, #tpu.memory_space<vmem>>, vector<1x1x16xf32>,
      %get3A_580 = vector.shape_cast %get3A_579 : vector<1x1x16xf32> to vector<16xf32>
      %get3A_581 = arith.constant 0 : i32
      %get3A_582 = arith.constant 5 : i32
      %get3A_583 = arith.index_cast %get3A_581 : i32 to index
      %get3A_584 = arith.index_cast %get3A_582 : i32 to index
      %get3A_585 = arith.index_cast %mul3A_446 : i32 to index
      %get3A_586 = tpu.vector_load %arg9[%get3A_583, %get3A_584, %get3A_585] {strides = array<i32>} : memref<2x8x2048xf32, #tpu.memory_space<vmem>>, vector<1x1x16xf32>,
      %get3A_587 = vector.shape_cast %get3A_586 : vector<1x1x16xf32> to vector<16xf32>
      %sub3A_588 = arith.subf %get3A_587, %get3A_580 : vector<16xf32>
      %mul3A_589 = vector.broadcast %scan3A_89 : f32 to vector<16xf32>
      %mul3A_590 = arith.mulf %sub3A_588, %mul3A_589 : vector<16xf32>
      %add3A_591 = arith.addf %get3A_580, %mul3A_590 : vector<16xf32>
      %swap3A_592 = arith.constant 0 : i32
      %swap3A_593 = arith.constant 5 : i32
      %swap3A_594 = arith.index_cast %swap3A_592 : i32 to index
      %swap3A_595 = arith.index_cast %swap3A_593 : i32 to index
      %swap3A_596 = arith.index_cast %mul3A_446 : i32 to index
      %swap3A_597 = tpu.vector_load %arg10[%swap3A_594, %swap3A_595, %swap3A_596] {strides = array<i32>} : memref<2x8x2048xf32, #tpu.memory_space<vmem>>, vector<1x1x16xf32>,
      %swap3A_598 = vector.shape_cast %swap3A_597 : vector<1x1x16xf32> to vector<16xf32>
      %swap3A_599 = vector.shape_cast %add3A_591 : vector<16xf32> to vector<1x1x16xf32>
      tpu.vector_store %arg10[%swap3A_594, %swap3A_595, %swap3A_596], %swap3A_599 {strides = array<i32>} : memref<2x8x2048xf32, #tpu.memory_space<vmem>>, vector<1x1x16xf32>,
      %get3A_600 = arith.constant 0 : i32
      %get3A_601 = arith.constant 6 : i32
      %get3A_602 = arith.index_cast %get3A_600 : i32 to index
      %get3A_603 = arith.index_cast %get3A_601 : i32 to index
      %get3A_604 = arith.index_cast %mul3A_446 : i32 to index
      %get3A_605 = tpu.vector_load %arg8[%get3A_602, %get3A_603, %get3A_604] {strides = array<i32>} : memref<2x8x2048xf32, #tpu.memory_space<vmem>>, vector<1x1x16xf32>,
      %get3A_606 = vector.shape_cast %get3A_605 : vector<1x1x16xf32> to vector<16xf32>
      %get3A_607 = arith.constant 0 : i32
      %get3A_608 = arith.constant 6 : i32
      %get3A_609 = arith.index_cast %get3A_607 : i32 to index
      %get3A_610 = arith.index_cast %get3A_608 : i32 to index
      %get3A_611 = arith.index_cast %mul3A_446 : i32 to index
      %get3A_612 = tpu.vector_load %arg9[%get3A_609, %get3A_610, %get3A_611] {strides = array<i32>} : memref<2x8x2048xf32, #tpu.memory_space<vmem>>, vector<1x1x16xf32>,
      %get3A_613 = vector.shape_cast %get3A_612 : vector<1x1x16xf32> to vector<16xf32>
      %sub3A_614 = arith.subf %get3A_613, %get3A_606 : vector<16xf32>
      %mul3A_615 = vector.broadcast %scan3A_89 : f32 to vector<16xf32>
      %mul3A_616 = arith.mulf %sub3A_614, %mul3A_615 : vector<16xf32>
      %add3A_617 = arith.addf %get3A_606, %mul3A_616 : vector<16xf32>
      %swap3A_618 = arith.constant 0 : i32
      %swap3A_619 = arith.constant 6 : i32
      %swap3A_620 = arith.index_cast %swap3A_618 : i32 to index
      %swap3A_621 = arith.index_cast %swap3A_619 : i32 to index
      %swap3A_622 = arith.index_cast %mul3A_446 : i32 to index
      %swap3A_623 = tpu.vector_load %arg10[%swap3A_620, %swap3A_621, %swap3A_622] {strides = array<i32>} : memref<2x8x2048xf32, #tpu.memory_space<vmem>>, vector<1x1x16xf32>,
      %swap3A_624 = vector.shape_cast %swap3A_623 : vector<1x1x16xf32> to vector<16xf32>
      %swap3A_625 = vector.shape_cast %add3A_617 : vector<16xf32> to vector<1x1x16xf32>
      tpu.vector_store %arg10[%swap3A_620, %swap3A_621, %swap3A_622], %swap3A_625 {strides = array<i32>} : memref<2x8x2048xf32, #tpu.memory_space<vmem>>, vector<1x1x16xf32>,
      %get3A_626 = arith.constant 0 : i32
      %get3A_627 = arith.constant 7 : i32
      %get3A_628 = arith.index_cast %get3A_626 : i32 to index
      %get3A_629 = arith.index_cast %get3A_627 : i32 to index
      %get3A_630 = arith.index_cast %mul3A_446 : i32 to index
      %get3A_631 = tpu.vector_load %arg8[%get3A_628, %get3A_629, %get3A_630] {strides = array<i32>} : memref<2x8x2048xf32, #tpu.memory_space<vmem>>, vector<1x1x16xf32>,
      %get3A_632 = vector.shape_cast %get3A_631 : vector<1x1x16xf32> to vector<16xf32>
      %get3A_633 = arith.constant 0 : i32
      %get3A_634 = arith.constant 7 : i32
      %get3A_635 = arith.index_cast %get3A_633 : i32 to index
      %get3A_636 = arith.index_cast %get3A_634 : i32 to index
      %get3A_637 = arith.index_cast %mul3A_446 : i32 to index
      %get3A_638 = tpu.vector_load %arg9[%get3A_635, %get3A_636, %get3A_637] {strides = array<i32>} : memref<2x8x2048xf32, #tpu.memory_space<vmem>>, vector<1x1x16xf32>,
      %get3A_639 = vector.shape_cast %get3A_638 : vector<1x1x16xf32> to vector<16xf32>
      %sub3A_640 = arith.subf %get3A_639, %get3A_632 : vector<16xf32>
      %mul3A_641 = vector.broadcast %scan3A_89 : f32 to vector<16xf32>
      %mul3A_642 = arith.mulf %sub3A_640, %mul3A_641 : vector<16xf32>
      %add3A_643 = arith.addf %get3A_632, %mul3A_642 : vector<16xf32>
      %swap3A_644 = arith.constant 0 : i32
      %swap3A_645 = arith.constant 7 : i32
      %swap3A_646 = arith.index_cast %swap3A_644 : i32 to index
      %swap3A_647 = arith.index_cast %swap3A_645 : i32 to index
      %swap3A_648 = arith.index_cast %mul3A_446 : i32 to index
      %swap3A_649 = tpu.vector_load %arg10[%swap3A_646, %swap3A_647, %swap3A_648] {strides = array<i32>} : memref<2x8x2048xf32, #tpu.memory_space<vmem>>, vector<1x1x16xf32>,
      %swap3A_650 = vector.shape_cast %swap3A_649 : vector<1x1x16xf32> to vector<16xf32>
      %swap3A_651 = vector.shape_cast %add3A_643 : vector<16xf32> to vector<1x1x16xf32>
      tpu.vector_store %arg10[%swap3A_646, %swap3A_647, %swap3A_648], %swap3A_651 {strides = array<i32>} : memref<2x8x2048xf32, #tpu.memory_space<vmem>>, vector<1x1x16xf32>,
    }
    %scan3A_94 = arith.constant 128 : i32
    %add3A_95 = arith.constant 0 : i32
    %add3A_96 = arith.addi %mul3A_2, %add3A_95 : i32
    %dma_start3A_97 = arith.constant 0 : i32
    %dma_start3A_98 = arith.constant 0 : i32
    %dma_start3A_99 = arith.constant 0 : i32
    %dma_start3A_100 = tpu.memref_slice %arg10[%dma_start3A_97, %dma_start3A_98, %dma_start3A_99] : memref<2x8x2048xf32, #tpu.memory_space<vmem>> -> memref<1x8x2048xf32, #tpu.memory_space<vmem>>
    %dma_start3A_101 = tpu.memref_squeeze %dma_start3A_100 : memref<1x8x2048xf32, #tpu.memory_space<vmem>> -> memref<8x2048xf32, #tpu.memory_space<vmem>>
    %dma_start3A_102 = arith.constant 0 : i32
    %dma_start3A_103 = tpu.memref_slice %arg5[%add3A_96, %dma_start3A_102] : memref<1024x2048xf32, #tpu.memory_space<hbm>> -> memref<8x2048xf32, #tpu.memory_space<hbm>>
    %dma_start3A_104 = arith.constant 0 : i32
    %dma_start3A_105 = tpu.memref_slice %arg5[%add3A_96, %dma_start3A_104] : memref<1024x2048xf32, #tpu.memory_space<hbm>> -> memref<8x2048xf32, #tpu.memory_space<hbm>>
    %dma_start3A_106 = arith.constant 0 : i32
    %dma_start3A_107 = arith.constant 0 : i32
    %dma_start3A_108 = tpu.memref_slice %arg10[%dma_start3A_97, %dma_start3A_106, %dma_start3A_107] : memref<2x8x2048xf32, #tpu.memory_space<vmem>> -> memref<1x8x2048xf32, #tpu.memory_space<vmem>>
    %dma_start3A_109 = tpu.memref_squeeze %dma_start3A_108 : memref<1x8x2048xf32, #tpu.memory_space<vmem>> -> memref<8x2048xf32, #tpu.memory_space<vmem>>
    tpu.enqueue_dma source(%dma_start3A_109 : memref<8x2048xf32, #tpu.memory_space<vmem>>) target(%dma_start3A_105 : memref<8x2048xf32, #tpu.memory_space<hbm>>) target_semaphore(%arg15 : memref<!tpu.dma_semaphore, #tpu.memory_space<semaphore_mem>>)
    %dma_wait3A_110 = arith.constant 0 : i32
    %dma_wait3A_111 = arith.constant 0 : i32
    %dma_wait3A_112 = arith.constant 0 : i32
    %dma_wait3A_113 = tpu.memref_slice %arg9[%dma_wait3A_110, %dma_wait3A_111, %dma_wait3A_112] : memref<2x8x2048xf32, #tpu.memory_space<vmem>> -> memref<1x8x2048xf32, #tpu.memory_space<vmem>>
    %dma_wait3A_114 = tpu.memref_squeeze %dma_wait3A_113 : memref<1x8x2048xf32, #tpu.memory_space<vmem>> -> memref<8x2048xf32, #tpu.memory_space<vmem>>
    %dma_wait3A_115 = arith.constant 0 : i32
    %dma_wait3A_116 = tpu.memref_slice %arg6[%add3A_75, %dma_wait3A_115] : memref<1024x2048xf32, #tpu.memory_space<hbm>> -> memref<8x2048xf32, #tpu.memory_space<hbm>>
    %dma_wait3A_117 = arith.constant 0 : i32
    %dma_wait3A_118 = tpu.memref_slice %arg6[%add3A_75, %dma_wait3A_117] : memref<1024x2048xf32, #tpu.memory_space<hbm>> -> memref<8x2048xf32, #tpu.memory_space<hbm>>
    %dma_wait3A_119 = arith.constant 0 : i32
    %dma_wait3A_120 = arith.constant 0 : i32
    %dma_wait3A_121 = tpu.memref_slice %arg9[%dma_wait3A_110, %dma_wait3A_119, %dma_wait3A_120] : memref<2x8x2048xf32, #tpu.memory_space<vmem>> -> memref<1x8x2048xf32, #tpu.memory_space<vmem>>
    %dma_wait3A_122 = tpu.memref_squeeze %dma_wait3A_121 : memref<1x8x2048xf32, #tpu.memory_space<vmem>> -> memref<8x2048xf32, #tpu.memory_space<vmem>>
    tpu.wait_dma2 semaphore(%arg17 : memref<!tpu.dma_semaphore, #tpu.memory_space<semaphore_mem>>) src(%dma_wait3A_122 : memref<8x2048xf32, #tpu.memory_space<vmem>>) dst(%dma_wait3A_118 : memref<8x2048xf32, #tpu.memory_space<hbm>>)
    %dma_start3A_123 = arith.constant 0 : i32
    %dma_start3A_124 = arith.constant 0 : i32
    %dma_start3A_125 = arith.constant 0 : i32
    %dma_start3A_126 = tpu.memref_slice %arg8[%dma_start3A_123, %dma_start3A_124, %dma_start3A_125] : memref<2x8x2048xf32, #tpu.memory_space<vmem>> -> memref<1x8x2048xf32, #tpu.memory_space<vmem>>
    %dma_start3A_127 = tpu.memref_squeeze %dma_start3A_126 : memref<1x8x2048xf32, #tpu.memory_space<vmem>> -> memref<8x2048xf32, #tpu.memory_space<vmem>>
    %dma_start3A_128 = arith.constant 16 : i32
    %dma_start3A_129 = tpu.memref_slice %arg7[%dma_start3A_128] : memref<32xi32, #tpu.memory_space<vmem>> -> memref<8xi32, #tpu.memory_space<vmem>>
    %dma_start3A_130 = arith.constant 0 : i32
    %dma_start3A_131 = arith.constant 0 : i32
    %dma_start3A_132 = tpu.memref_slice %arg4[%dma_start3A_130, %dma_start3A_131] : memref<1024x2048xf32, #tpu.memory_space<hbm>> -> memref<1024x2048xf32, #tpu.memory_space<hbm>>
    tpu.enqueue_indirect_dma source(%dma_start3A_132 : memref<1024x2048xf32, #tpu.memory_space<hbm>>) target(%dma_start3A_127 : memref<8x2048xf32, #tpu.memory_space<vmem>>) offsets(%dma_start3A_129 : memref<8xi32, #tpu.memory_space<vmem>>) semaphore(%arg11 : memref<!tpu.dma_semaphore, #tpu.memory_space<semaphore_mem>>)
    %add3A_133 = arith.constant 16 : i32
    %add3A_134 = arith.addi %mul3A_2, %add3A_133 : i32
    %dma_start3A_135 = arith.constant 0 : i32
    %dma_start3A_136 = arith.constant 0 : i32
    %dma_start3A_137 = arith.constant 0 : i32
    %dma_start3A_138 = tpu.memref_slice %arg9[%dma_start3A_135, %dma_start3A_136, %dma_start3A_137] : memref<2x8x2048xf32, #tpu.memory_space<vmem>> -> memref<1x8x2048xf32, #tpu.memory_space<vmem>>
    %dma_start3A_139 = tpu.memref_squeeze %dma_start3A_138 : memref<1x8x2048xf32, #tpu.memory_space<vmem>> -> memref<8x2048xf32, #tpu.memory_space<vmem>>
    %dma_start3A_140 = arith.constant 0 : i32
    %dma_start3A_141 = tpu.memref_slice %arg3[%add3A_134, %dma_start3A_140] : memref<1024x2048xf32, #tpu.memory_space<hbm>> -> memref<8x2048xf32, #tpu.memory_space<hbm>>
    %dma_start3A_142 = arith.constant 0 : i32
    %dma_start3A_143 = arith.constant 0 : i32
    %dma_start3A_144 = tpu.memref_slice %arg9[%dma_start3A_135, %dma_start3A_142, %dma_start3A_143] : memref<2x8x2048xf32, #tpu.memory_space<vmem>> -> memref<1x8x2048xf32, #tpu.memory_space<vmem>>
    %dma_start3A_145 = tpu.memref_squeeze %dma_start3A_144 : memref<1x8x2048xf32, #tpu.memory_space<vmem>> -> memref<8x2048xf32, #tpu.memory_space<vmem>>
    %dma_start3A_146 = arith.constant 0 : i32
    %dma_start3A_147 = tpu.memref_slice %arg3[%add3A_134, %dma_start3A_146] : memref<1024x2048xf32, #tpu.memory_space<hbm>> -> memref<8x2048xf32, #tpu.memory_space<hbm>>
    tpu.enqueue_dma source(%dma_start3A_147 : memref<8x2048xf32, #tpu.memory_space<hbm>>) target(%dma_start3A_145 : memref<8x2048xf32, #tpu.memory_space<vmem>>) target_semaphore(%arg13 : memref<!tpu.dma_semaphore, #tpu.memory_space<semaphore_mem>>)
    %dma_wait3A_148 = arith.constant 1 : i32
    %dma_wait3A_149 = arith.constant 0 : i32
    %dma_wait3A_150 = arith.constant 0 : i32
    %dma_wait3A_151 = tpu.memref_slice %arg8[%dma_wait3A_148, %dma_wait3A_149, %dma_wait3A_150] : memref<2x8x2048xf32, #tpu.memory_space<vmem>> -> memref<1x8x2048xf32, #tpu.memory_space<vmem>>
    %dma_wait3A_152 = tpu.memref_squeeze %dma_wait3A_151 : memref<1x8x2048xf32, #tpu.memory_space<vmem>> -> memref<8x2048xf32, #tpu.memory_space<vmem>>
    %dma_wait3A_153 = arith.constant 8 : i32
    %dma_wait3A_154 = tpu.memref_slice %arg7[%dma_wait3A_153] : memref<32xi32, #tpu.memory_space<vmem>> -> memref<8xi32, #tpu.memory_space<vmem>>
    %dma_wait3A_155 = arith.constant 0 : i32
    %dma_wait3A_156 = arith.constant 0 : i32
    %dma_wait3A_157 = tpu.memref_slice %arg4[%dma_wait3A_155, %dma_wait3A_156] : memref<1024x2048xf32, #tpu.memory_space<hbm>> -> memref<1024x2048xf32, #tpu.memory_space<hbm>>
    tpu.wait_indirect_dma semaphore(%arg12 : memref<!tpu.dma_semaphore, #tpu.memory_space<semaphore_mem>>) src(%dma_wait3A_157 : memref<1024x2048xf32, #tpu.memory_space<hbm>>) dst(%dma_wait3A_152 : memref<8x2048xf32, #tpu.memory_space<vmem>>)
    %dma_wait3A_158 = arith.constant 1 : i32
    %dma_wait3A_159 = arith.constant 0 : i32
    %dma_wait3A_160 = arith.constant 0 : i32
    %dma_wait3A_161 = tpu.memref_slice %arg9[%dma_wait3A_158, %dma_wait3A_159, %dma_wait3A_160] : memref<2x8x2048xf32, #tpu.memory_space<vmem>> -> memref<1x8x2048xf32, #tpu.memory_space<vmem>>
    %dma_wait3A_162 = tpu.memref_squeeze %dma_wait3A_161 : memref<1x8x2048xf32, #tpu.memory_space<vmem>> -> memref<8x2048xf32, #tpu.memory_space<vmem>>
    %dma_wait3A_163 = arith.constant 0 : i32
    %dma_wait3A_164 = tpu.memref_slice %arg3[%add3A_38, %dma_wait3A_163] : memref<1024x2048xf32, #tpu.memory_space<hbm>> -> memref<8x2048xf32, #tpu.memory_space<hbm>>
    %dma_wait3A_165 = arith.constant 0 : i32
    %dma_wait3A_166 = arith.constant 0 : i32
    %dma_wait3A_167 = tpu.memref_slice %arg9[%dma_wait3A_158, %dma_wait3A_165, %dma_wait3A_166] : memref<2x8x2048xf32, #tpu.memory_space<vmem>> -> memref<1x8x2048xf32, #tpu.memory_space<vmem>>
    %dma_wait3A_168 = tpu.memref_squeeze %dma_wait3A_167 : memref<1x8x2048xf32, #tpu.memory_space<vmem>> -> memref<8x2048xf32, #tpu.memory_space<vmem>>
    %dma_wait3A_169 = arith.constant 0 : i32
    %dma_wait3A_170 = tpu.memref_slice %arg3[%add3A_38, %dma_wait3A_169] : memref<1024x2048xf32, #tpu.memory_space<hbm>> -> memref<8x2048xf32, #tpu.memory_space<hbm>>
    tpu.wait_dma2 semaphore(%arg14 : memref<!tpu.dma_semaphore, #tpu.memory_space<semaphore_mem>>) src(%dma_wait3A_170 : memref<8x2048xf32, #tpu.memory_space<hbm>>) dst(%dma_wait3A_168 : memref<8x2048xf32, #tpu.memory_space<vmem>>)
    %add3A_171 = arith.constant 8 : i32
    %add3A_172 = arith.addi %mul3A_2, %add3A_171 : i32
    %dma_start3A_173 = arith.constant 1 : i32
    %dma_start3A_174 = arith.constant 0 : i32
    %dma_start3A_175 = arith.constant 0 : i32
    %dma_start3A_176 = tpu.memref_slice %arg9[%dma_start3A_173, %dma_start3A_174, %dma_start3A_175] : memref<2x8x2048xf32, #tpu.memory_space<vmem>> -> memref<1x8x2048xf32, #tpu.memory_space<vmem>>
    %dma_start3A_177 = tpu.memref_squeeze %dma_start3A_176 : memref<1x8x2048xf32, #tpu.memory_space<vmem>> -> memref<8x2048xf32, #tpu.memory_space<vmem>>
    %dma_start3A_178 = arith.constant 0 : i32
    %dma_start3A_179 = tpu.memref_slice %arg6[%add3A_172, %dma_start3A_178] : memref<1024x2048xf32, #tpu.memory_space<hbm>> -> memref<8x2048xf32, #tpu.memory_space<hbm>>
    %dma_start3A_180 = arith.constant 0 : i32
    %dma_start3A_181 = tpu.memref_slice %arg6[%add3A_172, %dma_start3A_180] : memref<1024x2048xf32, #tpu.memory_space<hbm>> -> memref<8x2048xf32, #tpu.memory_space<hbm>>
    %dma_start3A_182 = arith.constant 0 : i32
    %dma_start3A_183 = arith.constant 0 : i32
    %dma_start3A_184 = tpu.memref_slice %arg9[%dma_start3A_173, %dma_start3A_182, %dma_start3A_183] : memref<2x8x2048xf32, #tpu.memory_space<vmem>> -> memref<1x8x2048xf32, #tpu.memory_space<vmem>>
    %dma_start3A_185 = tpu.memref_squeeze %dma_start3A_184 : memref<1x8x2048xf32, #tpu.memory_space<vmem>> -> memref<8x2048xf32, #tpu.memory_space<vmem>>
    tpu.enqueue_dma source(%dma_start3A_185 : memref<8x2048xf32, #tpu.memory_space<vmem>>) target(%dma_start3A_181 : memref<8x2048xf32, #tpu.memory_space<hbm>>) target_semaphore(%arg18 : memref<!tpu.dma_semaphore, #tpu.memory_space<semaphore_mem>>)
    %scan3A_186 = arith.constant 0 : i32
    %scan3A_187 = arith.constant 9.99999974E-6 : f32
    %scan3A_188 = arith.constant 0 : i32
    %scan3A_189 = arith.constant 128 : i32
    %scan3A_190 = arith.addi %scan3A_188, %scan3A_189 : i32
    %scan3A_191 = arith.constant 1 : i32
    scf.for %scan3A_444 = %scan3A_188 to %scan3A_190 step %scan3A_191  : i32 {
      %mul3A_445 = arith.constant 16 : i32
      %mul3A_446 = arith.muli %scan3A_444, %mul3A_445 : i32
      %get3A = arith.constant 1 : i32
      %get3A_447 = arith.constant 0 : i32
      %get3A_448 = arith.index_cast %get3A : i32 to index
      %get3A_449 = arith.index_cast %get3A_447 : i32 to index
      %get3A_450 = arith.index_cast %mul3A_446 : i32 to index
      %get3A_451 = tpu.vector_load %arg8[%get3A_448, %get3A_449, %get3A_450] {strides = array<i32>} : memref<2x8x2048xf32, #tpu.memory_space<vmem>>, vector<1x1x16xf32>,
      %get3A_452 = vector.shape_cast %get3A_451 : vector<1x1x16xf32> to vector<16xf32>
      %get3A_453 = arith.constant 1 : i32
      %get3A_454 = arith.constant 0 : i32
      %get3A_455 = arith.index_cast %get3A_453 : i32 to index
      %get3A_456 = arith.index_cast %get3A_454 : i32 to index
      %get3A_457 = arith.index_cast %mul3A_446 : i32 to index
      %get3A_458 = tpu.vector_load %arg9[%get3A_455, %get3A_456, %get3A_457] {strides = array<i32>} : memref<2x8x2048xf32, #tpu.memory_space<vmem>>, vector<1x1x16xf32>,
      %get3A_459 = vector.shape_cast %get3A_458 : vector<1x1x16xf32> to vector<16xf32>
      %sub3A = arith.subf %get3A_459, %get3A_452 : vector<16xf32>
      %mul3A_460 = vector.broadcast %scan3A_187 : f32 to vector<16xf32>
      %mul3A_461 = arith.mulf %sub3A, %mul3A_460 : vector<16xf32>
      %add3A_462 = arith.addf %get3A_452, %mul3A_461 : vector<16xf32>
      %swap3A = arith.constant 1 : i32
      %swap3A_463 = arith.constant 0 : i32
      %swap3A_464 = arith.index_cast %swap3A : i32 to index
      %swap3A_465 = arith.index_cast %swap3A_463 : i32 to index
      %swap3A_466 = arith.index_cast %mul3A_446 : i32 to index
      %swap3A_467 = tpu.vector_load %arg10[%swap3A_464, %swap3A_465, %swap3A_466] {strides = array<i32>} : memref<2x8x2048xf32, #tpu.memory_space<vmem>>, vector<1x1x16xf32>,
      %swap3A_468 = vector.shape_cast %swap3A_467 : vector<1x1x16xf32> to vector<16xf32>
      %swap3A_469 = vector.shape_cast %add3A_462 : vector<16xf32> to vector<1x1x16xf32>
      tpu.vector_store %arg10[%swap3A_464, %swap3A_465, %swap3A_466], %swap3A_469 {strides = array<i32>} : memref<2x8x2048xf32, #tpu.memory_space<vmem>>, vector<1x1x16xf32>,
      %get3A_470 = arith.constant 1 : i32
      %get3A_471 = arith.constant 1 : i32
      %get3A_472 = arith.index_cast %get3A_470 : i32 to index
      %get3A_473 = arith.index_cast %get3A_471 : i32 to index
      %get3A_474 = arith.index_cast %mul3A_446 : i32 to index
      %get3A_475 = tpu.vector_load %arg8[%get3A_472, %get3A_473, %get3A_474] {strides = array<i32>} : memref<2x8x2048xf32, #tpu.memory_space<vmem>>, vector<1x1x16xf32>,
      %get3A_476 = vector.shape_cast %get3A_475 : vector<1x1x16xf32> to vector<16xf32>
      %get3A_477 = arith.constant 1 : i32
      %get3A_478 = arith.constant 1 : i32
      %get3A_479 = arith.index_cast %get3A_477 : i32 to index
      %get3A_480 = arith.index_cast %get3A_478 : i32 to index
      %get3A_481 = arith.index_cast %mul3A_446 : i32 to index
      %get3A_482 = tpu.vector_load %arg9[%get3A_479, %get3A_480, %get3A_481] {strides = array<i32>} : memref<2x8x2048xf32, #tpu.memory_space<vmem>>, vector<1x1x16xf32>,
      %get3A_483 = vector.shape_cast %get3A_482 : vector<1x1x16xf32> to vector<16xf32>
      %sub3A_484 = arith.subf %get3A_483, %get3A_476 : vector<16xf32>
      %mul3A_485 = vector.broadcast %scan3A_187 : f32 to vector<16xf32>
      %mul3A_486 = arith.mulf %sub3A_484, %mul3A_485 : vector<16xf32>
      %add3A_487 = arith.addf %get3A_476, %mul3A_486 : vector<16xf32>
      %swap3A_488 = arith.constant 1 : i32
      %swap3A_489 = arith.constant 1 : i32
      %swap3A_490 = arith.index_cast %swap3A_488 : i32 to index
      %swap3A_491 = arith.index_cast %swap3A_489 : i32 to index
      %swap3A_492 = arith.index_cast %mul3A_446 : i32 to index
      %swap3A_493 = tpu.vector_load %arg10[%swap3A_490, %swap3A_491, %swap3A_492] {strides = array<i32>} : memref<2x8x2048xf32, #tpu.memory_space<vmem>>, vector<1x1x16xf32>,
      %swap3A_494 = vector.shape_cast %swap3A_493 : vector<1x1x16xf32> to vector<16xf32>
      %swap3A_495 = vector.shape_cast %add3A_487 : vector<16xf32> to vector<1x1x16xf32>
      tpu.vector_store %arg10[%swap3A_490, %swap3A_491, %swap3A_492], %swap3A_495 {strides = array<i32>} : memref<2x8x2048xf32, #tpu.memory_space<vmem>>, vector<1x1x16xf32>,
      %get3A_496 = arith.constant 1 : i32
      %get3A_497 = arith.constant 2 : i32
      %get3A_498 = arith.index_cast %get3A_496 : i32 to index
      %get3A_499 = arith.index_cast %get3A_497 : i32 to index
      %get3A_500 = arith.index_cast %mul3A_446 : i32 to index
      %get3A_501 = tpu.vector_load %arg8[%get3A_498, %get3A_499, %get3A_500] {strides = array<i32>} : memref<2x8x2048xf32, #tpu.memory_space<vmem>>, vector<1x1x16xf32>,
      %get3A_502 = vector.shape_cast %get3A_501 : vector<1x1x16xf32> to vector<16xf32>
      %get3A_503 = arith.constant 1 : i32
      %get3A_504 = arith.constant 2 : i32
      %get3A_505 = arith.index_cast %get3A_503 : i32 to index
      %get3A_506 = arith.index_cast %get3A_504 : i32 to index
      %get3A_507 = arith.index_cast %mul3A_446 : i32 to index
      %get3A_508 = tpu.vector_load %arg9[%get3A_505, %get3A_506, %get3A_507] {strides = array<i32>} : memref<2x8x2048xf32, #tpu.memory_space<vmem>>, vector<1x1x16xf32>,
      %get3A_509 = vector.shape_cast %get3A_508 : vector<1x1x16xf32> to vector<16xf32>
      %sub3A_510 = arith.subf %get3A_509, %get3A_502 : vector<16xf32>
      %mul3A_511 = vector.broadcast %scan3A_187 : f32 to vector<16xf32>
      %mul3A_512 = arith.mulf %sub3A_510, %mul3A_511 : vector<16xf32>
      %add3A_513 = arith.addf %get3A_502, %mul3A_512 : vector<16xf32>
      %swap3A_514 = arith.constant 1 : i32
      %swap3A_515 = arith.constant 2 : i32
      %swap3A_516 = arith.index_cast %swap3A_514 : i32 to index
      %swap3A_517 = arith.index_cast %swap3A_515 : i32 to index
      %swap3A_518 = arith.index_cast %mul3A_446 : i32 to index
      %swap3A_519 = tpu.vector_load %arg10[%swap3A_516, %swap3A_517, %swap3A_518] {strides = array<i32>} : memref<2x8x2048xf32, #tpu.memory_space<vmem>>, vector<1x1x16xf32>,
      %swap3A_520 = vector.shape_cast %swap3A_519 : vector<1x1x16xf32> to vector<16xf32>
      %swap3A_521 = vector.shape_cast %add3A_513 : vector<16xf32> to vector<1x1x16xf32>
      tpu.vector_store %arg10[%swap3A_516, %swap3A_517, %swap3A_518], %swap3A_521 {strides = array<i32>} : memref<2x8x2048xf32, #tpu.memory_space<vmem>>, vector<1x1x16xf32>,
      %get3A_522 = arith.constant 1 : i32
      %get3A_523 = arith.constant 3 : i32
      %get3A_524 = arith.index_cast %get3A_522 : i32 to index
      %get3A_525 = arith.index_cast %get3A_523 : i32 to index
      %get3A_526 = arith.index_cast %mul3A_446 : i32 to index
      %get3A_527 = tpu.vector_load %arg8[%get3A_524, %get3A_525, %get3A_526] {strides = array<i32>} : memref<2x8x2048xf32, #tpu.memory_space<vmem>>, vector<1x1x16xf32>,
      %get3A_528 = vector.shape_cast %get3A_527 : vector<1x1x16xf32> to vector<16xf32>
      %get3A_529 = arith.constant 1 : i32
      %get3A_530 = arith.constant 3 : i32
      %get3A_531 = arith.index_cast %get3A_529 : i32 to index
      %get3A_532 = arith.index_cast %get3A_530 : i32 to index
      %get3A_533 = arith.index_cast %mul3A_446 : i32 to index
      %get3A_534 = tpu.vector_load %arg9[%get3A_531, %get3A_532, %get3A_533] {strides = array<i32>} : memref<2x8x2048xf32, #tpu.memory_space<vmem>>, vector<1x1x16xf32>,
      %get3A_535 = vector.shape_cast %get3A_534 : vector<1x1x16xf32> to vector<16xf32>
      %sub3A_536 = arith.subf %get3A_535, %get3A_528 : vector<16xf32>
      %mul3A_537 = vector.broadcast %scan3A_187 : f32 to vector<16xf32>
      %mul3A_538 = arith.mulf %sub3A_536, %mul3A_537 : vector<16xf32>
      %add3A_539 = arith.addf %get3A_528, %mul3A_538 : vector<16xf32>
      %swap3A_540 = arith.constant 1 : i32
      %swap3A_541 = arith.constant 3 : i32
      %swap3A_542 = arith.index_cast %swap3A_540 : i32 to index
      %swap3A_543 = arith.index_cast %swap3A_541 : i32 to index
      %swap3A_544 = arith.index_cast %mul3A_446 : i32 to index
      %swap3A_545 = tpu.vector_load %arg10[%swap3A_542, %swap3A_543, %swap3A_544] {strides = array<i32>} : memref<2x8x2048xf32, #tpu.memory_space<vmem>>, vector<1x1x16xf32>,
      %swap3A_546 = vector.shape_cast %swap3A_545 : vector<1x1x16xf32> to vector<16xf32>
      %swap3A_547 = vector.shape_cast %add3A_539 : vector<16xf32> to vector<1x1x16xf32>
      tpu.vector_store %arg10[%swap3A_542, %swap3A_543, %swap3A_544], %swap3A_547 {strides = array<i32>} : memref<2x8x2048xf32, #tpu.memory_space<vmem>>, vector<1x1x16xf32>,
      %get3A_548 = arith.constant 1 : i32
      %get3A_549 = arith.constant 4 : i32
      %get3A_550 = arith.index_cast %get3A_548 : i32 to index
      %get3A_551 = arith.index_cast %get3A_549 : i32 to index
      %get3A_552 = arith.index_cast %mul3A_446 : i32 to index
      %get3A_553 = tpu.vector_load %arg8[%get3A_550, %get3A_551, %get3A_552] {strides = array<i32>} : memref<2x8x2048xf32, #tpu.memory_space<vmem>>, vector<1x1x16xf32>,
      %get3A_554 = vector.shape_cast %get3A_553 : vector<1x1x16xf32> to vector<16xf32>
      %get3A_555 = arith.constant 1 : i32
      %get3A_556 = arith.constant 4 : i32
      %get3A_557 = arith.index_cast %get3A_555 : i32 to index
      %get3A_558 = arith.index_cast %get3A_556 : i32 to index
      %get3A_559 = arith.index_cast %mul3A_446 : i32 to index
      %get3A_560 = tpu.vector_load %arg9[%get3A_557, %get3A_558, %get3A_559] {strides = array<i32>} : memref<2x8x2048xf32, #tpu.memory_space<vmem>>, vector<1x1x16xf32>,
      %get3A_561 = vector.shape_cast %get3A_560 : vector<1x1x16xf32> to vector<16xf32>
      %sub3A_562 = arith.subf %get3A_561, %get3A_554 : vector<16xf32>
      %mul3A_563 = vector.broadcast %scan3A_187 : f32 to vector<16xf32>
      %mul3A_564 = arith.mulf %sub3A_562, %mul3A_563 : vector<16xf32>
      %add3A_565 = arith.addf %get3A_554, %mul3A_564 : vector<16xf32>
      %swap3A_566 = arith.constant 1 : i32
      %swap3A_567 = arith.constant 4 : i32
      %swap3A_568 = arith.index_cast %swap3A_566 : i32 to index
      %swap3A_569 = arith.index_cast %swap3A_567 : i32 to index
      %swap3A_570 = arith.index_cast %mul3A_446 : i32 to index
      %swap3A_571 = tpu.vector_load %arg10[%swap3A_568, %swap3A_569, %swap3A_570] {strides = array<i32>} : memref<2x8x2048xf32, #tpu.memory_space<vmem>>, vector<1x1x16xf32>,
      %swap3A_572 = vector.shape_cast %swap3A_571 : vector<1x1x16xf32> to vector<16xf32>
      %swap3A_573 = vector.shape_cast %add3A_565 : vector<16xf32> to vector<1x1x16xf32>
      tpu.vector_store %arg10[%swap3A_568, %swap3A_569, %swap3A_570], %swap3A_573 {strides = array<i32>} : memref<2x8x2048xf32, #tpu.memory_space<vmem>>, vector<1x1x16xf32>,
      %get3A_574 = arith.constant 1 : i32
      %get3A_575 = arith.constant 5 : i32
      %get3A_576 = arith.index_cast %get3A_574 : i32 to index
      %get3A_577 = arith.index_cast %get3A_575 : i32 to index
      %get3A_578 = arith.index_cast %mul3A_446 : i32 to index
      %get3A_579 = tpu.vector_load %arg8[%get3A_576, %get3A_577, %get3A_578] {strides = array<i32>} : memref<2x8x2048xf32, #tpu.memory_space<vmem>>, vector<1x1x16xf32>,
      %get3A_580 = vector.shape_cast %get3A_579 : vector<1x1x16xf32> to vector<16xf32>
      %get3A_581 = arith.constant 1 : i32
      %get3A_582 = arith.constant 5 : i32
      %get3A_583 = arith.index_cast %get3A_581 : i32 to index
      %get3A_584 = arith.index_cast %get3A_582 : i32 to index
      %get3A_585 = arith.index_cast %mul3A_446 : i32 to index
      %get3A_586 = tpu.vector_load %arg9[%get3A_583, %get3A_584, %get3A_585] {strides = array<i32>} : memref<2x8x2048xf32, #tpu.memory_space<vmem>>, vector<1x1x16xf32>,
      %get3A_587 = vector.shape_cast %get3A_586 : vector<1x1x16xf32> to vector<16xf32>
      %sub3A_588 = arith.subf %get3A_587, %get3A_580 : vector<16xf32>
      %mul3A_589 = vector.broadcast %scan3A_187 : f32 to vector<16xf32>
      %mul3A_590 = arith.mulf %sub3A_588, %mul3A_589 : vector<16xf32>
      %add3A_591 = arith.addf %get3A_580, %mul3A_590 : vector<16xf32>
      %swap3A_592 = arith.constant 1 : i32
      %swap3A_593 = arith.constant 5 : i32
      %swap3A_594 = arith.index_cast %swap3A_592 : i32 to index
      %swap3A_595 = arith.index_cast %swap3A_593 : i32 to index
      %swap3A_596 = arith.index_cast %mul3A_446 : i32 to index
      %swap3A_597 = tpu.vector_load %arg10[%swap3A_594, %swap3A_595, %swap3A_596] {strides = array<i32>} : memref<2x8x2048xf32, #tpu.memory_space<vmem>>, vector<1x1x16xf32>,
      %swap3A_598 = vector.shape_cast %swap3A_597 : vector<1x1x16xf32> to vector<16xf32>
      %swap3A_599 = vector.shape_cast %add3A_591 : vector<16xf32> to vector<1x1x16xf32>
      tpu.vector_store %arg10[%swap3A_594, %swap3A_595, %swap3A_596], %swap3A_599 {strides = array<i32>} : memref<2x8x2048xf32, #tpu.memory_space<vmem>>, vector<1x1x16xf32>,
      %get3A_600 = arith.constant 1 : i32
      %get3A_601 = arith.constant 6 : i32
      %get3A_602 = arith.index_cast %get3A_600 : i32 to index
      %get3A_603 = arith.index_cast %get3A_601 : i32 to index
      %get3A_604 = arith.index_cast %mul3A_446 : i32 to index
      %get3A_605 = tpu.vector_load %arg8[%get3A_602, %get3A_603, %get3A_604] {strides = array<i32>} : memref<2x8x2048xf32, #tpu.memory_space<vmem>>, vector<1x1x16xf32>,
      %get3A_606 = vector.shape_cast %get3A_605 : vector<1x1x16xf32> to vector<16xf32>
      %get3A_607 = arith.constant 1 : i32
      %get3A_608 = arith.constant 6 : i32
      %get3A_609 = arith.index_cast %get3A_607 : i32 to index
      %get3A_610 = arith.index_cast %get3A_608 : i32 to index
      %get3A_611 = arith.index_cast %mul3A_446 : i32 to index
      %get3A_612 = tpu.vector_load %arg9[%get3A_609, %get3A_610, %get3A_611] {strides = array<i32>} : memref<2x8x2048xf32, #tpu.memory_space<vmem>>, vector<1x1x16xf32>,
      %get3A_613 = vector.shape_cast %get3A_612 : vector<1x1x16xf32> to vector<16xf32>
      %sub3A_614 = arith.subf %get3A_613, %get3A_606 : vector<16xf32>
      %mul3A_615 = vector.broadcast %scan3A_187 : f32 to vector<16xf32>
      %mul3A_616 = arith.mulf %sub3A_614, %mul3A_615 : vector<16xf32>
      %add3A_617 = arith.addf %get3A_606, %mul3A_616 : vector<16xf32>
      %swap3A_618 = arith.constant 1 : i32
      %swap3A_619 = arith.constant 6 : i32
      %swap3A_620 = arith.index_cast %swap3A_618 : i32 to index
      %swap3A_621 = arith.index_cast %swap3A_619 : i32 to index
      %swap3A_622 = arith.index_cast %mul3A_446 : i32 to index
      %swap3A_623 = tpu.vector_load %arg10[%swap3A_620, %swap3A_621, %swap3A_622] {strides = array<i32>} : memref<2x8x2048xf32, #tpu.memory_space<vmem>>, vector<1x1x16xf32>,
      %swap3A_624 = vector.shape_cast %swap3A_623 : vector<1x1x16xf32> to vector<16xf32>
      %swap3A_625 = vector.shape_cast %add3A_617 : vector<16xf32> to vector<1x1x16xf32>
      tpu.vector_store %arg10[%swap3A_620, %swap3A_621, %swap3A_622], %swap3A_625 {strides = array<i32>} : memref<2x8x2048xf32, #tpu.memory_space<vmem>>, vector<1x1x16xf32>,
      %get3A_626 = arith.constant 1 : i32
      %get3A_627 = arith.constant 7 : i32
      %get3A_628 = arith.index_cast %get3A_626 : i32 to index
      %get3A_629 = arith.index_cast %get3A_627 : i32 to index
      %get3A_630 = arith.index_cast %mul3A_446 : i32 to index
      %get3A_631 = tpu.vector_load %arg8[%get3A_628, %get3A_629, %get3A_630] {strides = array<i32>} : memref<2x8x2048xf32, #tpu.memory_space<vmem>>, vector<1x1x16xf32>,
      %get3A_632 = vector.shape_cast %get3A_631 : vector<1x1x16xf32> to vector<16xf32>
      %get3A_633 = arith.constant 1 : i32
      %get3A_634 = arith.constant 7 : i32
      %get3A_635 = arith.index_cast %get3A_633 : i32 to index
      %get3A_636 = arith.index_cast %get3A_634 : i32 to index
      %get3A_637 = arith.index_cast %mul3A_446 : i32 to index
      %get3A_638 = tpu.vector_load %arg9[%get3A_635, %get3A_636, %get3A_637] {strides = array<i32>} : memref<2x8x2048xf32, #tpu.memory_space<vmem>>, vector<1x1x16xf32>,
      %get3A_639 = vector.shape_cast %get3A_638 : vector<1x1x16xf32> to vector<16xf32>
      %sub3A_640 = arith.subf %get3A_639, %get3A_632 : vector<16xf32>
      %mul3A_641 = vector.broadcast %scan3A_187 : f32 to vector<16xf32>
      %mul3A_642 = arith.mulf %sub3A_640, %mul3A_641 : vector<16xf32>
      %add3A_643 = arith.addf %get3A_632, %mul3A_642 : vector<16xf32>
      %swap3A_644 = arith.constant 1 : i32
      %swap3A_645 = arith.constant 7 : i32
      %swap3A_646 = arith.index_cast %swap3A_644 : i32 to index
      %swap3A_647 = arith.index_cast %swap3A_645 : i32 to index
      %swap3A_648 = arith.index_cast %mul3A_446 : i32 to index
      %swap3A_649 = tpu.vector_load %arg10[%swap3A_646, %swap3A_647, %swap3A_648] {strides = array<i32>} : memref<2x8x2048xf32, #tpu.memory_space<vmem>>, vector<1x1x16xf32>,
      %swap3A_650 = vector.shape_cast %swap3A_649 : vector<1x1x16xf32> to vector<16xf32>
      %swap3A_651 = vector.shape_cast %add3A_643 : vector<16xf32> to vector<1x1x16xf32>
      tpu.vector_store %arg10[%swap3A_646, %swap3A_647, %swap3A_648], %swap3A_651 {strides = array<i32>} : memref<2x8x2048xf32, #tpu.memory_space<vmem>>, vector<1x1x16xf32>,
    }
    %scan3A_192 = arith.constant 128 : i32
    %add3A_193 = arith.constant 8 : i32
    %add3A_194 = arith.addi %mul3A_2, %add3A_193 : i32
    %dma_start3A_195 = arith.constant 1 : i32
    %dma_start3A_196 = arith.constant 0 : i32
    %dma_start3A_197 = arith.constant 0 : i32
    %dma_start3A_198 = tpu.memref_slice %arg10[%dma_start3A_195, %dma_start3A_196, %dma_start3A_197] : memref<2x8x2048xf32, #tpu.memory_space<vmem>> -> memref<1x8x2048xf32, #tpu.memory_space<vmem>>
    %dma_start3A_199 = tpu.memref_squeeze %dma_start3A_198 : memref<1x8x2048xf32, #tpu.memory_space<vmem>> -> memref<8x2048xf32, #tpu.memory_space<vmem>>
    %dma_start3A_200 = arith.constant 0 : i32
    %dma_start3A_201 = tpu.memref_slice %arg5[%add3A_194, %dma_start3A_200] : memref<1024x2048xf32, #tpu.memory_space<hbm>> -> memref<8x2048xf32, #tpu.memory_space<hbm>>
    %dma_start3A_202 = arith.constant 0 : i32
    %dma_start3A_203 = tpu.memref_slice %arg5[%add3A_194, %dma_start3A_202] : memref<1024x2048xf32, #tpu.memory_space<hbm>> -> memref<8x2048xf32, #tpu.memory_space<hbm>>
    %dma_start3A_204 = arith.constant 0 : i32
    %dma_start3A_205 = arith.constant 0 : i32
    %dma_start3A_206 = tpu.memref_slice %arg10[%dma_start3A_195, %dma_start3A_204, %dma_start3A_205] : memref<2x8x2048xf32, #tpu.memory_space<vmem>> -> memref<1x8x2048xf32, #tpu.memory_space<vmem>>
    %dma_start3A_207 = tpu.memref_squeeze %dma_start3A_206 : memref<1x8x2048xf32, #tpu.memory_space<vmem>> -> memref<8x2048xf32, #tpu.memory_space<vmem>>
    tpu.enqueue_dma source(%dma_start3A_207 : memref<8x2048xf32, #tpu.memory_space<vmem>>) target(%dma_start3A_203 : memref<8x2048xf32, #tpu.memory_space<hbm>>) target_semaphore(%arg16 : memref<!tpu.dma_semaphore, #tpu.memory_space<semaphore_mem>>)
    %dma_wait3A_208 = arith.constant 1 : i32
    %dma_wait3A_209 = arith.constant 0 : i32
    %dma_wait3A_210 = arith.constant 0 : i32
    %dma_wait3A_211 = tpu.memref_slice %arg9[%dma_wait3A_208, %dma_wait3A_209, %dma_wait3A_210] : memref<2x8x2048xf32, #tpu.memory_space<vmem>> -> memref<1x8x2048xf32, #tpu.memory_space<vmem>>
    %dma_wait3A_212 = tpu.memref_squeeze %dma_wait3A_211 : memref<1x8x2048xf32, #tpu.memory_space<vmem>> -> memref<8x2048xf32, #tpu.memory_space<vmem>>
    %dma_wait3A_213 = arith.constant 0 : i32
    %dma_wait3A_214 = tpu.memref_slice %arg6[%add3A_172, %dma_wait3A_213] : memref<1024x2048xf32, #tpu.memory_space<hbm>> -> memref<8x2048xf32, #tpu.memory_space<hbm>>
    %dma_wait3A_215 = arith.constant 0 : i32
    %dma_wait3A_216 = tpu.memref_slice %arg6[%add3A_172, %dma_wait3A_215] : memref<1024x2048xf32, #tpu.memory_space<hbm>> -> memref<8x2048xf32, #tpu.memory_space<hbm>>
    %dma_wait3A_217 = arith.constant 0 : i32
    %dma_wait3A_218 = arith.constant 0 : i32
    %dma_wait3A_219 = tpu.memref_slice %arg9[%dma_wait3A_208, %dma_wait3A_217, %dma_wait3A_218] : memref<2x8x2048xf32, #tpu.memory_space<vmem>> -> memref<1x8x2048xf32, #tpu.memory_space<vmem>>
    %dma_wait3A_220 = tpu.memref_squeeze %dma_wait3A_219 : memref<1x8x2048xf32, #tpu.memory_space<vmem>> -> memref<8x2048xf32, #tpu.memory_space<vmem>>
    tpu.wait_dma2 semaphore(%arg18 : memref<!tpu.dma_semaphore, #tpu.memory_space<semaphore_mem>>) src(%dma_wait3A_220 : memref<8x2048xf32, #tpu.memory_space<vmem>>) dst(%dma_wait3A_216 : memref<8x2048xf32, #tpu.memory_space<hbm>>)
    %dma_start3A_221 = arith.constant 1 : i32
    %dma_start3A_222 = arith.constant 0 : i32
    %dma_start3A_223 = arith.constant 0 : i32
    %dma_start3A_224 = tpu.memref_slice %arg8[%dma_start3A_221, %dma_start3A_222, %dma_start3A_223] : memref<2x8x2048xf32, #tpu.memory_space<vmem>> -> memref<1x8x2048xf32, #tpu.memory_space<vmem>>
    %dma_start3A_225 = tpu.memref_squeeze %dma_start3A_224 : memref<1x8x2048xf32, #tpu.memory_space<vmem>> -> memref<8x2048xf32, #tpu.memory_space<vmem>>
    %dma_start3A_226 = arith.constant 24 : i32
    %dma_start3A_227 = tpu.memref_slice %arg7[%dma_start3A_226] : memref<32xi32, #tpu.memory_space<vmem>> -> memref<8xi32, #tpu.memory_space<vmem>>
    %dma_start3A_228 = arith.constant 0 : i32
    %dma_start3A_229 = arith.constant 0 : i32
    %dma_start3A_230 = tpu.memref_slice %arg4[%dma_start3A_228, %dma_start3A_229] : memref<1024x2048xf32, #tpu.memory_space<hbm>> -> memref<1024x2048xf32, #tpu.memory_space<hbm>>
    tpu.enqueue_indirect_dma source(%dma_start3A_230 : memref<1024x2048xf32, #tpu.memory_space<hbm>>) target(%dma_start3A_225 : memref<8x2048xf32, #tpu.memory_space<vmem>>) offsets(%dma_start3A_227 : memref<8xi32, #tpu.memory_space<vmem>>) semaphore(%arg12 : memref<!tpu.dma_semaphore, #tpu.memory_space<semaphore_mem>>)
    %add3A_231 = arith.constant 24 : i32
    %add3A_232 = arith.addi %mul3A_2, %add3A_231 : i32
    %dma_start3A_233 = arith.constant 1 : i32
    %dma_start3A_234 = arith.constant 0 : i32
    %dma_start3A_235 = arith.constant 0 : i32
    %dma_start3A_236 = tpu.memref_slice %arg9[%dma_start3A_233, %dma_start3A_234, %dma_start3A_235] : memref<2x8x2048xf32, #tpu.memory_space<vmem>> -> memref<1x8x2048xf32, #tpu.memory_space<vmem>>
    %dma_start3A_237 = tpu.memref_squeeze %dma_start3A_236 : memref<1x8x2048xf32, #tpu.memory_space<vmem>> -> memref<8x2048xf32, #tpu.memory_space<vmem>>
    %dma_start3A_238 = arith.constant 0 : i32
    %dma_start3A_239 = tpu.memref_slice %arg3[%add3A_232, %dma_start3A_238] : memref<1024x2048xf32, #tpu.memory_space<hbm>> -> memref<8x2048xf32, #tpu.memory_space<hbm>>
    %dma_start3A_240 = arith.constant 0 : i32
    %dma_start3A_241 = arith.constant 0 : i32
    %dma_start3A_242 = tpu.memref_slice %arg9[%dma_start3A_233, %dma_start3A_240, %dma_start3A_241] : memref<2x8x2048xf32, #tpu.memory_space<vmem>> -> memref<1x8x2048xf32, #tpu.memory_space<vmem>>
    %dma_start3A_243 = tpu.memref_squeeze %dma_start3A_242 : memref<1x8x2048xf32, #tpu.memory_space<vmem>> -> memref<8x2048xf32, #tpu.memory_space<vmem>>
    %dma_start3A_244 = arith.constant 0 : i32
    %dma_start3A_245 = tpu.memref_slice %arg3[%add3A_232, %dma_start3A_244] : memref<1024x2048xf32, #tpu.memory_space<hbm>> -> memref<8x2048xf32, #tpu.memory_space<hbm>>
    tpu.enqueue_dma source(%dma_start3A_245 : memref<8x2048xf32, #tpu.memory_space<hbm>>) target(%dma_start3A_243 : memref<8x2048xf32, #tpu.memory_space<vmem>>) target_semaphore(%arg14 : memref<!tpu.dma_semaphore, #tpu.memory_space<semaphore_mem>>)
    %dma_wait3A_246 = arith.constant 0 : i32
    %dma_wait3A_247 = arith.constant 0 : i32
    %dma_wait3A_248 = arith.constant 0 : i32
    %dma_wait3A_249 = tpu.memref_slice %arg10[%dma_wait3A_246, %dma_wait3A_247, %dma_wait3A_248] : memref<2x8x2048xf32, #tpu.memory_space<vmem>> -> memref<1x8x2048xf32, #tpu.memory_space<vmem>>
    %dma_wait3A_250 = tpu.memref_squeeze %dma_wait3A_249 : memref<1x8x2048xf32, #tpu.memory_space<vmem>> -> memref<8x2048xf32, #tpu.memory_space<vmem>>
    %dma_wait3A_251 = arith.constant 0 : i32
    %dma_wait3A_252 = tpu.memref_slice %arg5[%add3A_96, %dma_wait3A_251] : memref<1024x2048xf32, #tpu.memory_space<hbm>> -> memref<8x2048xf32, #tpu.memory_space<hbm>>
    %dma_wait3A_253 = arith.constant 0 : i32
    %dma_wait3A_254 = tpu.memref_slice %arg5[%add3A_96, %dma_wait3A_253] : memref<1024x2048xf32, #tpu.memory_space<hbm>> -> memref<8x2048xf32, #tpu.memory_space<hbm>>
    %dma_wait3A_255 = arith.constant 0 : i32
    %dma_wait3A_256 = arith.constant 0 : i32
    %dma_wait3A_257 = tpu.memref_slice %arg10[%dma_wait3A_246, %dma_wait3A_255, %dma_wait3A_256] : memref<2x8x2048xf32, #tpu.memory_space<vmem>> -> memref<1x8x2048xf32, #tpu.memory_space<vmem>>
    %dma_wait3A_258 = tpu.memref_squeeze %dma_wait3A_257 : memref<1x8x2048xf32, #tpu.memory_space<vmem>> -> memref<8x2048xf32, #tpu.memory_space<vmem>>
    tpu.wait_dma2 semaphore(%arg15 : memref<!tpu.dma_semaphore, #tpu.memory_space<semaphore_mem>>) src(%dma_wait3A_258 : memref<8x2048xf32, #tpu.memory_space<vmem>>) dst(%dma_wait3A_254 : memref<8x2048xf32, #tpu.memory_space<hbm>>)
    %dma_wait3A_259 = arith.constant 0 : i32
    %dma_wait3A_260 = arith.constant 0 : i32
    %dma_wait3A_261 = arith.constant 0 : i32
    %dma_wait3A_262 = tpu.memref_slice %arg8[%dma_wait3A_259, %dma_wait3A_260, %dma_wait3A_261] : memref<2x8x2048xf32, #tpu.memory_space<vmem>> -> memref<1x8x2048xf32, #tpu.memory_space<vmem>>
    %dma_wait3A_263 = tpu.memref_squeeze %dma_wait3A_262 : memref<1x8x2048xf32, #tpu.memory_space<vmem>> -> memref<8x2048xf32, #tpu.memory_space<vmem>>
    %dma_wait3A_264 = arith.constant 16 : i32
    %dma_wait3A_265 = tpu.memref_slice %arg7[%dma_wait3A_264] : memref<32xi32, #tpu.memory_space<vmem>> -> memref<8xi32, #tpu.memory_space<vmem>>
    %dma_wait3A_266 = arith.constant 0 : i32
    %dma_wait3A_267 = arith.constant 0 : i32
    %dma_wait3A_268 = tpu.memref_slice %arg4[%dma_wait3A_266, %dma_wait3A_267] : memref<1024x2048xf32, #tpu.memory_space<hbm>> -> memref<1024x2048xf32, #tpu.memory_space<hbm>>
    tpu.wait_indirect_dma semaphore(%arg11 : memref<!tpu.dma_semaphore, #tpu.memory_space<semaphore_mem>>) src(%dma_wait3A_268 : memref<1024x2048xf32, #tpu.memory_space<hbm>>) dst(%dma_wait3A_263 : memref<8x2048xf32, #tpu.memory_space<vmem>>)
    %dma_wait3A_269 = arith.constant 0 : i32
    %dma_wait3A_270 = arith.constant 0 : i32
    %dma_wait3A_271 = arith.constant 0 : i32
    %dma_wait3A_272 = tpu.memref_slice %arg9[%dma_wait3A_269, %dma_wait3A_270, %dma_wait3A_271] : memref<2x8x2048xf32, #tpu.memory_space<vmem>> -> memref<1x8x2048xf32, #tpu.memory_space<vmem>>
    %dma_wait3A_273 = tpu.memref_squeeze %dma_wait3A_272 : memref<1x8x2048xf32, #tpu.memory_space<vmem>> -> memref<8x2048xf32, #tpu.memory_space<vmem>>
    %dma_wait3A_274 = arith.constant 0 : i32
    %dma_wait3A_275 = tpu.memref_slice %arg3[%add3A_134, %dma_wait3A_274] : memref<1024x2048xf32, #tpu.memory_space<hbm>> -> memref<8x2048xf32, #tpu.memory_space<hbm>>
    %dma_wait3A_276 = arith.constant 0 : i32
    %dma_wait3A_277 = arith.constant 0 : i32
    %dma_wait3A_278 = tpu.memref_slice %arg9[%dma_wait3A_269, %dma_wait3A_276, %dma_wait3A_277] : memref<2x8x2048xf32, #tpu.memory_space<vmem>> -> memref<1x8x2048xf32, #tpu.memory_space<vmem>>
    %dma_wait3A_279 = tpu.memref_squeeze %dma_wait3A_278 : memref<1x8x2048xf32, #tpu.memory_space<vmem>> -> memref<8x2048xf32, #tpu.memory_space<vmem>>
    %dma_wait3A_280 = arith.constant 0 : i32
    %dma_wait3A_281 = tpu.memref_slice %arg3[%add3A_134, %dma_wait3A_280] : memref<1024x2048xf32, #tpu.memory_space<hbm>> -> memref<8x2048xf32, #tpu.memory_space<hbm>>
    tpu.wait_dma2 semaphore(%arg13 : memref<!tpu.dma_semaphore, #tpu.memory_space<semaphore_mem>>) src(%dma_wait3A_281 : memref<8x2048xf32, #tpu.memory_space<hbm>>) dst(%dma_wait3A_279 : memref<8x2048xf32, #tpu.memory_space<vmem>>)
    %add3A_282 = arith.constant 16 : i32
    %add3A_283 = arith.addi %mul3A_2, %add3A_282 : i32
    %dma_start3A_284 = arith.constant 0 : i32
    %dma_start3A_285 = arith.constant 0 : i32
    %dma_start3A_286 = arith.constant 0 : i32
    %dma_start3A_287 = tpu.memref_slice %arg9[%dma_start3A_284, %dma_start3A_285, %dma_start3A_286] : memref<2x8x2048xf32, #tpu.memory_space<vmem>> -> memref<1x8x2048xf32, #tpu.memory_space<vmem>>
    %dma_start3A_288 = tpu.memref_squeeze %dma_start3A_287 : memref<1x8x2048xf32, #tpu.memory_space<vmem>> -> memref<8x2048xf32, #tpu.memory_space<vmem>>
    %dma_start3A_289 = arith.constant 0 : i32
    %dma_start3A_290 = tpu.memref_slice %arg6[%add3A_283, %dma_start3A_289] : memref<1024x2048xf32, #tpu.memory_space<hbm>> -> memref<8x2048xf32, #tpu.memory_space<hbm>>
    %dma_start3A_291 = arith.constant 0 : i32
    %dma_start3A_292 = tpu.memref_slice %arg6[%add3A_283, %dma_start3A_291] : memref<1024x2048xf32, #tpu.memory_space<hbm>> -> memref<8x2048xf32, #tpu.memory_space<hbm>>
    %dma_start3A_293 = arith.constant 0 : i32
    %dma_start3A_294 = arith.constant 0 : i32
    %dma_start3A_295 = tpu.memref_slice %arg9[%dma_start3A_284, %dma_start3A_293, %dma_start3A_294] : memref<2x8x2048xf32, #tpu.memory_space<vmem>> -> memref<1x8x2048xf32, #tpu.memory_space<vmem>>
    %dma_start3A_296 = tpu.memref_squeeze %dma_start3A_295 : memref<1x8x2048xf32, #tpu.memory_space<vmem>> -> memref<8x2048xf32, #tpu.memory_space<vmem>>
    tpu.enqueue_dma source(%dma_start3A_296 : memref<8x2048xf32, #tpu.memory_space<vmem>>) target(%dma_start3A_292 : memref<8x2048xf32, #tpu.memory_space<hbm>>) target_semaphore(%arg17 : memref<!tpu.dma_semaphore, #tpu.memory_space<semaphore_mem>>)
    %scan3A_297 = arith.constant 0 : i32
    %scan3A_298 = arith.constant 9.99999974E-6 : f32
    %scan3A_299 = arith.constant 0 : i32
    %scan3A_300 = arith.constant 128 : i32
    %scan3A_301 = arith.addi %scan3A_299, %scan3A_300 : i32
    %scan3A_302 = arith.constant 1 : i32
    scf.for %scan3A_444 = %scan3A_299 to %scan3A_301 step %scan3A_302  : i32 {
      %mul3A_445 = arith.constant 16 : i32
      %mul3A_446 = arith.muli %scan3A_444, %mul3A_445 : i32
      %get3A = arith.constant 0 : i32
      %get3A_447 = arith.constant 0 : i32
      %get3A_448 = arith.index_cast %get3A : i32 to index
      %get3A_449 = arith.index_cast %get3A_447 : i32 to index
      %get3A_450 = arith.index_cast %mul3A_446 : i32 to index
      %get3A_451 = tpu.vector_load %arg8[%get3A_448, %get3A_449, %get3A_450] {strides = array<i32>} : memref<2x8x2048xf32, #tpu.memory_space<vmem>>, vector<1x1x16xf32>,
      %get3A_452 = vector.shape_cast %get3A_451 : vector<1x1x16xf32> to vector<16xf32>
      %get3A_453 = arith.constant 0 : i32
      %get3A_454 = arith.constant 0 : i32
      %get3A_455 = arith.index_cast %get3A_453 : i32 to index
      %get3A_456 = arith.index_cast %get3A_454 : i32 to index
      %get3A_457 = arith.index_cast %mul3A_446 : i32 to index
      %get3A_458 = tpu.vector_load %arg9[%get3A_455, %get3A_456, %get3A_457] {strides = array<i32>} : memref<2x8x2048xf32, #tpu.memory_space<vmem>>, vector<1x1x16xf32>,
      %get3A_459 = vector.shape_cast %get3A_458 : vector<1x1x16xf32> to vector<16xf32>
      %sub3A = arith.subf %get3A_459, %get3A_452 : vector<16xf32>
      %mul3A_460 = vector.broadcast %scan3A_298 : f32 to vector<16xf32>
      %mul3A_461 = arith.mulf %sub3A, %mul3A_460 : vector<16xf32>
      %add3A_462 = arith.addf %get3A_452, %mul3A_461 : vector<16xf32>
      %swap3A = arith.constant 0 : i32
      %swap3A_463 = arith.constant 0 : i32
      %swap3A_464 = arith.index_cast %swap3A : i32 to index
      %swap3A_465 = arith.index_cast %swap3A_463 : i32 to index
      %swap3A_466 = arith.index_cast %mul3A_446 : i32 to index
      %swap3A_467 = tpu.vector_load %arg10[%swap3A_464, %swap3A_465, %swap3A_466] {strides = array<i32>} : memref<2x8x2048xf32, #tpu.memory_space<vmem>>, vector<1x1x16xf32>,
      %swap3A_468 = vector.shape_cast %swap3A_467 : vector<1x1x16xf32> to vector<16xf32>
      %swap3A_469 = vector.shape_cast %add3A_462 : vector<16xf32> to vector<1x1x16xf32>
      tpu.vector_store %arg10[%swap3A_464, %swap3A_465, %swap3A_466], %swap3A_469 {strides = array<i32>} : memref<2x8x2048xf32, #tpu.memory_space<vmem>>, vector<1x1x16xf32>,
      %get3A_470 = arith.constant 0 : i32
      %get3A_471 = arith.constant 1 : i32
      %get3A_472 = arith.index_cast %get3A_470 : i32 to index
      %get3A_473 = arith.index_cast %get3A_471 : i32 to index
      %get3A_474 = arith.index_cast %mul3A_446 : i32 to index
      %get3A_475 = tpu.vector_load %arg8[%get3A_472, %get3A_473, %get3A_474] {strides = array<i32>} : memref<2x8x2048xf32, #tpu.memory_space<vmem>>, vector<1x1x16xf32>,
      %get3A_476 = vector.shape_cast %get3A_475 : vector<1x1x16xf32> to vector<16xf32>
      %get3A_477 = arith.constant 0 : i32
      %get3A_478 = arith.constant 1 : i32
      %get3A_479 = arith.index_cast %get3A_477 : i32 to index
      %get3A_480 = arith.index_cast %get3A_478 : i32 to index
      %get3A_481 = arith.index_cast %mul3A_446 : i32 to index
      %get3A_482 = tpu.vector_load %arg9[%get3A_479, %get3A_480, %get3A_481] {strides = array<i32>} : memref<2x8x2048xf32, #tpu.memory_space<vmem>>, vector<1x1x16xf32>,
      %get3A_483 = vector.shape_cast %get3A_482 : vector<1x1x16xf32> to vector<16xf32>
      %sub3A_484 = arith.subf %get3A_483, %get3A_476 : vector<16xf32>
      %mul3A_485 = vector.broadcast %scan3A_298 : f32 to vector<16xf32>
      %mul3A_486 = arith.mulf %sub3A_484, %mul3A_485 : vector<16xf32>
      %add3A_487 = arith.addf %get3A_476, %mul3A_486 : vector<16xf32>
      %swap3A_488 = arith.constant 0 : i32
      %swap3A_489 = arith.constant 1 : i32
      %swap3A_490 = arith.index_cast %swap3A_488 : i32 to index
      %swap3A_491 = arith.index_cast %swap3A_489 : i32 to index
      %swap3A_492 = arith.index_cast %mul3A_446 : i32 to index
      %swap3A_493 = tpu.vector_load %arg10[%swap3A_490, %swap3A_491, %swap3A_492] {strides = array<i32>} : memref<2x8x2048xf32, #tpu.memory_space<vmem>>, vector<1x1x16xf32>,
      %swap3A_494 = vector.shape_cast %swap3A_493 : vector<1x1x16xf32> to vector<16xf32>
      %swap3A_495 = vector.shape_cast %add3A_487 : vector<16xf32> to vector<1x1x16xf32>
      tpu.vector_store %arg10[%swap3A_490, %swap3A_491, %swap3A_492], %swap3A_495 {strides = array<i32>} : memref<2x8x2048xf32, #tpu.memory_space<vmem>>, vector<1x1x16xf32>,
      %get3A_496 = arith.constant 0 : i32
      %get3A_497 = arith.constant 2 : i32
      %get3A_498 = arith.index_cast %get3A_496 : i32 to index
      %get3A_499 = arith.index_cast %get3A_497 : i32 to index
      %get3A_500 = arith.index_cast %mul3A_446 : i32 to index
      %get3A_501 = tpu.vector_load %arg8[%get3A_498, %get3A_499, %get3A_500] {strides = array<i32>} : memref<2x8x2048xf32, #tpu.memory_space<vmem>>, vector<1x1x16xf32>,
      %get3A_502 = vector.shape_cast %get3A_501 : vector<1x1x16xf32> to vector<16xf32>
      %get3A_503 = arith.constant 0 : i32
      %get3A_504 = arith.constant 2 : i32
      %get3A_505 = arith.index_cast %get3A_503 : i32 to index
      %get3A_506 = arith.index_cast %get3A_504 : i32 to index
      %get3A_507 = arith.index_cast %mul3A_446 : i32 to index
      %get3A_508 = tpu.vector_load %arg9[%get3A_505, %get3A_506, %get3A_507] {strides = array<i32>} : memref<2x8x2048xf32, #tpu.memory_space<vmem>>, vector<1x1x16xf32>,
      %get3A_509 = vector.shape_cast %get3A_508 : vector<1x1x16xf32> to vector<16xf32>
      %sub3A_510 = arith.subf %get3A_509, %get3A_502 : vector<16xf32>
      %mul3A_511 = vector.broadcast %scan3A_298 : f32 to vector<16xf32>
      %mul3A_512 = arith.mulf %sub3A_510, %mul3A_511 : vector<16xf32>
      %add3A_513 = arith.addf %get3A_502, %mul3A_512 : vector<16xf32>
      %swap3A_514 = arith.constant 0 : i32
      %swap3A_515 = arith.constant 2 : i32
      %swap3A_516 = arith.index_cast %swap3A_514 : i32 to index
      %swap3A_517 = arith.index_cast %swap3A_515 : i32 to index
      %swap3A_518 = arith.index_cast %mul3A_446 : i32 to index
      %swap3A_519 = tpu.vector_load %arg10[%swap3A_516, %swap3A_517, %swap3A_518] {strides = array<i32>} : memref<2x8x2048xf32, #tpu.memory_space<vmem>>, vector<1x1x16xf32>,
      %swap3A_520 = vector.shape_cast %swap3A_519 : vector<1x1x16xf32> to vector<16xf32>
      %swap3A_521 = vector.shape_cast %add3A_513 : vector<16xf32> to vector<1x1x16xf32>
      tpu.vector_store %arg10[%swap3A_516, %swap3A_517, %swap3A_518], %swap3A_521 {strides = array<i32>} : memref<2x8x2048xf32, #tpu.memory_space<vmem>>, vector<1x1x16xf32>,
      %get3A_522 = arith.constant 0 : i32
      %get3A_523 = arith.constant 3 : i32
      %get3A_524 = arith.index_cast %get3A_522 : i32 to index
      %get3A_525 = arith.index_cast %get3A_523 : i32 to index
      %get3A_526 = arith.index_cast %mul3A_446 : i32 to index
      %get3A_527 = tpu.vector_load %arg8[%get3A_524, %get3A_525, %get3A_526] {strides = array<i32>} : memref<2x8x2048xf32, #tpu.memory_space<vmem>>, vector<1x1x16xf32>,
      %get3A_528 = vector.shape_cast %get3A_527 : vector<1x1x16xf32> to vector<16xf32>
      %get3A_529 = arith.constant 0 : i32
      %get3A_530 = arith.constant 3 : i32
      %get3A_531 = arith.index_cast %get3A_529 : i32 to index
      %get3A_532 = arith.index_cast %get3A_530 : i32 to index
      %get3A_533 = arith.index_cast %mul3A_446 : i32 to index
      %get3A_534 = tpu.vector_load %arg9[%get3A_531, %get3A_532, %get3A_533] {strides = array<i32>} : memref<2x8x2048xf32, #tpu.memory_space<vmem>>, vector<1x1x16xf32>,
      %get3A_535 = vector.shape_cast %get3A_534 : vector<1x1x16xf32> to vector<16xf32>
      %sub3A_536 = arith.subf %get3A_535, %get3A_528 : vector<16xf32>
      %mul3A_537 = vector.broadcast %scan3A_298 : f32 to vector<16xf32>
      %mul3A_538 = arith.mulf %sub3A_536, %mul3A_537 : vector<16xf32>
      %add3A_539 = arith.addf %get3A_528, %mul3A_538 : vector<16xf32>
      %swap3A_540 = arith.constant 0 : i32
      %swap3A_541 = arith.constant 3 : i32
      %swap3A_542 = arith.index_cast %swap3A_540 : i32 to index
      %swap3A_543 = arith.index_cast %swap3A_541 : i32 to index
      %swap3A_544 = arith.index_cast %mul3A_446 : i32 to index
      %swap3A_545 = tpu.vector_load %arg10[%swap3A_542, %swap3A_543, %swap3A_544] {strides = array<i32>} : memref<2x8x2048xf32, #tpu.memory_space<vmem>>, vector<1x1x16xf32>,
      %swap3A_546 = vector.shape_cast %swap3A_545 : vector<1x1x16xf32> to vector<16xf32>
      %swap3A_547 = vector.shape_cast %add3A_539 : vector<16xf32> to vector<1x1x16xf32>
      tpu.vector_store %arg10[%swap3A_542, %swap3A_543, %swap3A_544], %swap3A_547 {strides = array<i32>} : memref<2x8x2048xf32, #tpu.memory_space<vmem>>, vector<1x1x16xf32>,
      %get3A_548 = arith.constant 0 : i32
      %get3A_549 = arith.constant 4 : i32
      %get3A_550 = arith.index_cast %get3A_548 : i32 to index
      %get3A_551 = arith.index_cast %get3A_549 : i32 to index
      %get3A_552 = arith.index_cast %mul3A_446 : i32 to index
      %get3A_553 = tpu.vector_load %arg8[%get3A_550, %get3A_551, %get3A_552] {strides = array<i32>} : memref<2x8x2048xf32, #tpu.memory_space<vmem>>, vector<1x1x16xf32>,
      %get3A_554 = vector.shape_cast %get3A_553 : vector<1x1x16xf32> to vector<16xf32>
      %get3A_555 = arith.constant 0 : i32
      %get3A_556 = arith.constant 4 : i32
      %get3A_557 = arith.index_cast %get3A_555 : i32 to index
      %get3A_558 = arith.index_cast %get3A_556 : i32 to index
      %get3A_559 = arith.index_cast %mul3A_446 : i32 to index
      %get3A_560 = tpu.vector_load %arg9[%get3A_557, %get3A_558, %get3A_559] {strides = array<i32>} : memref<2x8x2048xf32, #tpu.memory_space<vmem>>, vector<1x1x16xf32>,
      %get3A_561 = vector.shape_cast %get3A_560 : vector<1x1x16xf32> to vector<16xf32>
      %sub3A_562 = arith.subf %get3A_561, %get3A_554 : vector<16xf32>
      %mul3A_563 = vector.broadcast %scan3A_298 : f32 to vector<16xf32>
      %mul3A_564 = arith.mulf %sub3A_562, %mul3A_563 : vector<16xf32>
      %add3A_565 = arith.addf %get3A_554, %mul3A_564 : vector<16xf32>
      %swap3A_566 = arith.constant 0 : i32
      %swap3A_567 = arith.constant 4 : i32
      %swap3A_568 = arith.index_cast %swap3A_566 : i32 to index
      %swap3A_569 = arith.index_cast %swap3A_567 : i32 to index
      %swap3A_570 = arith.index_cast %mul3A_446 : i32 to index
      %swap3A_571 = tpu.vector_load %arg10[%swap3A_568, %swap3A_569, %swap3A_570] {strides = array<i32>} : memref<2x8x2048xf32, #tpu.memory_space<vmem>>, vector<1x1x16xf32>,
      %swap3A_572 = vector.shape_cast %swap3A_571 : vector<1x1x16xf32> to vector<16xf32>
      %swap3A_573 = vector.shape_cast %add3A_565 : vector<16xf32> to vector<1x1x16xf32>
      tpu.vector_store %arg10[%swap3A_568, %swap3A_569, %swap3A_570], %swap3A_573 {strides = array<i32>} : memref<2x8x2048xf32, #tpu.memory_space<vmem>>, vector<1x1x16xf32>,
      %get3A_574 = arith.constant 0 : i32
      %get3A_575 = arith.constant 5 : i32
      %get3A_576 = arith.index_cast %get3A_574 : i32 to index
      %get3A_577 = arith.index_cast %get3A_575 : i32 to index
      %get3A_578 = arith.index_cast %mul3A_446 : i32 to index
      %get3A_579 = tpu.vector_load %arg8[%get3A_576, %get3A_577, %get3A_578] {strides = array<i32>} : memref<2x8x2048xf32, #tpu.memory_space<vmem>>, vector<1x1x16xf32>,
      %get3A_580 = vector.shape_cast %get3A_579 : vector<1x1x16xf32> to vector<16xf32>
      %get3A_581 = arith.constant 0 : i32
      %get3A_582 = arith.constant 5 : i32
      %get3A_583 = arith.index_cast %get3A_581 : i32 to index
      %get3A_584 = arith.index_cast %get3A_582 : i32 to index
      %get3A_585 = arith.index_cast %mul3A_446 : i32 to index
      %get3A_586 = tpu.vector_load %arg9[%get3A_583, %get3A_584, %get3A_585] {strides = array<i32>} : memref<2x8x2048xf32, #tpu.memory_space<vmem>>, vector<1x1x16xf32>,
      %get3A_587 = vector.shape_cast %get3A_586 : vector<1x1x16xf32> to vector<16xf32>
      %sub3A_588 = arith.subf %get3A_587, %get3A_580 : vector<16xf32>
      %mul3A_589 = vector.broadcast %scan3A_298 : f32 to vector<16xf32>
      %mul3A_590 = arith.mulf %sub3A_588, %mul3A_589 : vector<16xf32>
      %add3A_591 = arith.addf %get3A_580, %mul3A_590 : vector<16xf32>
      %swap3A_592 = arith.constant 0 : i32
      %swap3A_593 = arith.constant 5 : i32
      %swap3A_594 = arith.index_cast %swap3A_592 : i32 to index
      %swap3A_595 = arith.index_cast %swap3A_593 : i32 to index
      %swap3A_596 = arith.index_cast %mul3A_446 : i32 to index
      %swap3A_597 = tpu.vector_load %arg10[%swap3A_594, %swap3A_595, %swap3A_596] {strides = array<i32>} : memref<2x8x2048xf32, #tpu.memory_space<vmem>>, vector<1x1x16xf32>,
      %swap3A_598 = vector.shape_cast %swap3A_597 : vector<1x1x16xf32> to vector<16xf32>
      %swap3A_599 = vector.shape_cast %add3A_591 : vector<16xf32> to vector<1x1x16xf32>
      tpu.vector_store %arg10[%swap3A_594, %swap3A_595, %swap3A_596], %swap3A_599 {strides = array<i32>} : memref<2x8x2048xf32, #tpu.memory_space<vmem>>, vector<1x1x16xf32>,
      %get3A_600 = arith.constant 0 : i32
      %get3A_601 = arith.constant 6 : i32
      %get3A_602 = arith.index_cast %get3A_600 : i32 to index
      %get3A_603 = arith.index_cast %get3A_601 : i32 to index
      %get3A_604 = arith.index_cast %mul3A_446 : i32 to index
      %get3A_605 = tpu.vector_load %arg8[%get3A_602, %get3A_603, %get3A_604] {strides = array<i32>} : memref<2x8x2048xf32, #tpu.memory_space<vmem>>, vector<1x1x16xf32>,
      %get3A_606 = vector.shape_cast %get3A_605 : vector<1x1x16xf32> to vector<16xf32>
      %get3A_607 = arith.constant 0 : i32
      %get3A_608 = arith.constant 6 : i32
      %get3A_609 = arith.index_cast %get3A_607 : i32 to index
      %get3A_610 = arith.index_cast %get3A_608 : i32 to index
      %get3A_611 = arith.index_cast %mul3A_446 : i32 to index
      %get3A_612 = tpu.vector_load %arg9[%get3A_609, %get3A_610, %get3A_611] {strides = array<i32>} : memref<2x8x2048xf32, #tpu.memory_space<vmem>>, vector<1x1x16xf32>,
      %get3A_613 = vector.shape_cast %get3A_612 : vector<1x1x16xf32> to vector<16xf32>
      %sub3A_614 = arith.subf %get3A_613, %get3A_606 : vector<16xf32>
      %mul3A_615 = vector.broadcast %scan3A_298 : f32 to vector<16xf32>
      %mul3A_616 = arith.mulf %sub3A_614, %mul3A_615 : vector<16xf32>
      %add3A_617 = arith.addf %get3A_606, %mul3A_616 : vector<16xf32>
      %swap3A_618 = arith.constant 0 : i32
      %swap3A_619 = arith.constant 6 : i32
      %swap3A_620 = arith.index_cast %swap3A_618 : i32 to index
      %swap3A_621 = arith.index_cast %swap3A_619 : i32 to index
      %swap3A_622 = arith.index_cast %mul3A_446 : i32 to index
      %swap3A_623 = tpu.vector_load %arg10[%swap3A_620, %swap3A_621, %swap3A_622] {strides = array<i32>} : memref<2x8x2048xf32, #tpu.memory_space<vmem>>, vector<1x1x16xf32>,
      %swap3A_624 = vector.shape_cast %swap3A_623 : vector<1x1x16xf32> to vector<16xf32>
      %swap3A_625 = vector.shape_cast %add3A_617 : vector<16xf32> to vector<1x1x16xf32>
      tpu.vector_store %arg10[%swap3A_620, %swap3A_621, %swap3A_622], %swap3A_625 {strides = array<i32>} : memref<2x8x2048xf32, #tpu.memory_space<vmem>>, vector<1x1x16xf32>,
      %get3A_626 = arith.constant 0 : i32
      %get3A_627 = arith.constant 7 : i32
      %get3A_628 = arith.index_cast %get3A_626 : i32 to index
      %get3A_629 = arith.index_cast %get3A_627 : i32 to index
      %get3A_630 = arith.index_cast %mul3A_446 : i32 to index
      %get3A_631 = tpu.vector_load %arg8[%get3A_628, %get3A_629, %get3A_630] {strides = array<i32>} : memref<2x8x2048xf32, #tpu.memory_space<vmem>>, vector<1x1x16xf32>,
      %get3A_632 = vector.shape_cast %get3A_631 : vector<1x1x16xf32> to vector<16xf32>
      %get3A_633 = arith.constant 0 : i32
      %get3A_634 = arith.constant 7 : i32
      %get3A_635 = arith.index_cast %get3A_633 : i32 to index
      %get3A_636 = arith.index_cast %get3A_634 : i32 to index
      %get3A_637 = arith.index_cast %mul3A_446 : i32 to index
      %get3A_638 = tpu.vector_load %arg9[%get3A_635, %get3A_636, %get3A_637] {strides = array<i32>} : memref<2x8x2048xf32, #tpu.memory_space<vmem>>, vector<1x1x16xf32>,
      %get3A_639 = vector.shape_cast %get3A_638 : vector<1x1x16xf32> to vector<16xf32>
      %sub3A_640 = arith.subf %get3A_639, %get3A_632 : vector<16xf32>
      %mul3A_641 = vector.broadcast %scan3A_298 : f32 to vector<16xf32>
      %mul3A_642 = arith.mulf %sub3A_640, %mul3A_641 : vector<16xf32>
      %add3A_643 = arith.addf %get3A_632, %mul3A_642 : vector<16xf32>
      %swap3A_644 = arith.constant 0 : i32
      %swap3A_645 = arith.constant 7 : i32
      %swap3A_646 = arith.index_cast %swap3A_644 : i32 to index
      %swap3A_647 = arith.index_cast %swap3A_645 : i32 to index
      %swap3A_648 = arith.index_cast %mul3A_446 : i32 to index
      %swap3A_649 = tpu.vector_load %arg10[%swap3A_646, %swap3A_647, %swap3A_648] {strides = array<i32>} : memref<2x8x2048xf32, #tpu.memory_space<vmem>>, vector<1x1x16xf32>,
      %swap3A_650 = vector.shape_cast %swap3A_649 : vector<1x1x16xf32> to vector<16xf32>
      %swap3A_651 = vector.shape_cast %add3A_643 : vector<16xf32> to vector<1x1x16xf32>
      tpu.vector_store %arg10[%swap3A_646, %swap3A_647, %swap3A_648], %swap3A_651 {strides = array<i32>} : memref<2x8x2048xf32, #tpu.memory_space<vmem>>, vector<1x1x16xf32>,
    }
    %scan3A_303 = arith.constant 128 : i32
    %add3A_304 = arith.constant 16 : i32
    %add3A_305 = arith.addi %mul3A_2, %add3A_304 : i32
    %dma_start3A_306 = arith.constant 0 : i32
    %dma_start3A_307 = arith.constant 0 : i32
    %dma_start3A_308 = arith.constant 0 : i32
    %dma_start3A_309 = tpu.memref_slice %arg10[%dma_start3A_306, %dma_start3A_307, %dma_start3A_308] : memref<2x8x2048xf32, #tpu.memory_space<vmem>> -> memref<1x8x2048xf32, #tpu.memory_space<vmem>>
    %dma_start3A_310 = tpu.memref_squeeze %dma_start3A_309 : memref<1x8x2048xf32, #tpu.memory_space<vmem>> -> memref<8x2048xf32, #tpu.memory_space<vmem>>
    %dma_start3A_311 = arith.constant 0 : i32
    %dma_start3A_312 = tpu.memref_slice %arg5[%add3A_305, %dma_start3A_311] : memref<1024x2048xf32, #tpu.memory_space<hbm>> -> memref<8x2048xf32, #tpu.memory_space<hbm>>
    %dma_start3A_313 = arith.constant 0 : i32
    %dma_start3A_314 = tpu.memref_slice %arg5[%add3A_305, %dma_start3A_313] : memref<1024x2048xf32, #tpu.memory_space<hbm>> -> memref<8x2048xf32, #tpu.memory_space<hbm>>
    %dma_start3A_315 = arith.constant 0 : i32
    %dma_start3A_316 = arith.constant 0 : i32
    %dma_start3A_317 = tpu.memref_slice %arg10[%dma_start3A_306, %dma_start3A_315, %dma_start3A_316] : memref<2x8x2048xf32, #tpu.memory_space<vmem>> -> memref<1x8x2048xf32, #tpu.memory_space<vmem>>
    %dma_start3A_318 = tpu.memref_squeeze %dma_start3A_317 : memref<1x8x2048xf32, #tpu.memory_space<vmem>> -> memref<8x2048xf32, #tpu.memory_space<vmem>>
    tpu.enqueue_dma source(%dma_start3A_318 : memref<8x2048xf32, #tpu.memory_space<vmem>>) target(%dma_start3A_314 : memref<8x2048xf32, #tpu.memory_space<hbm>>) target_semaphore(%arg15 : memref<!tpu.dma_semaphore, #tpu.memory_space<semaphore_mem>>)
    %dma_wait3A_319 = arith.constant 1 : i32
    %dma_wait3A_320 = arith.constant 0 : i32
    %dma_wait3A_321 = arith.constant 0 : i32
    %dma_wait3A_322 = tpu.memref_slice %arg10[%dma_wait3A_319, %dma_wait3A_320, %dma_wait3A_321] : memref<2x8x2048xf32, #tpu.memory_space<vmem>> -> memref<1x8x2048xf32, #tpu.memory_space<vmem>>
    %dma_wait3A_323 = tpu.memref_squeeze %dma_wait3A_322 : memref<1x8x2048xf32, #tpu.memory_space<vmem>> -> memref<8x2048xf32, #tpu.memory_space<vmem>>
    %dma_wait3A_324 = arith.constant 0 : i32
    %dma_wait3A_325 = tpu.memref_slice %arg5[%add3A_194, %dma_wait3A_324] : memref<1024x2048xf32, #tpu.memory_space<hbm>> -> memref<8x2048xf32, #tpu.memory_space<hbm>>
    %dma_wait3A_326 = arith.constant 0 : i32
    %dma_wait3A_327 = tpu.memref_slice %arg5[%add3A_194, %dma_wait3A_326] : memref<1024x2048xf32, #tpu.memory_space<hbm>> -> memref<8x2048xf32, #tpu.memory_space<hbm>>
    %dma_wait3A_328 = arith.constant 0 : i32
    %dma_wait3A_329 = arith.constant 0 : i32
    %dma_wait3A_330 = tpu.memref_slice %arg10[%dma_wait3A_319, %dma_wait3A_328, %dma_wait3A_329] : memref<2x8x2048xf32, #tpu.memory_space<vmem>> -> memref<1x8x2048xf32, #tpu.memory_space<vmem>>
    %dma_wait3A_331 = tpu.memref_squeeze %dma_wait3A_330 : memref<1x8x2048xf32, #tpu.memory_space<vmem>> -> memref<8x2048xf32, #tpu.memory_space<vmem>>
    tpu.wait_dma2 semaphore(%arg16 : memref<!tpu.dma_semaphore, #tpu.memory_space<semaphore_mem>>) src(%dma_wait3A_331 : memref<8x2048xf32, #tpu.memory_space<vmem>>) dst(%dma_wait3A_327 : memref<8x2048xf32, #tpu.memory_space<hbm>>)
    %dma_wait3A_332 = arith.constant 1 : i32
    %dma_wait3A_333 = arith.constant 0 : i32
    %dma_wait3A_334 = arith.constant 0 : i32
    %dma_wait3A_335 = tpu.memref_slice %arg8[%dma_wait3A_332, %dma_wait3A_333, %dma_wait3A_334] : memref<2x8x2048xf32, #tpu.memory_space<vmem>> -> memref<1x8x2048xf32, #tpu.memory_space<vmem>>
    %dma_wait3A_336 = tpu.memref_squeeze %dma_wait3A_335 : memref<1x8x2048xf32, #tpu.memory_space<vmem>> -> memref<8x2048xf32, #tpu.memory_space<vmem>>
    %dma_wait3A_337 = arith.constant 24 : i32
    %dma_wait3A_338 = tpu.memref_slice %arg7[%dma_wait3A_337] : memref<32xi32, #tpu.memory_space<vmem>> -> memref<8xi32, #tpu.memory_space<vmem>>
    %dma_wait3A_339 = arith.constant 0 : i32
    %dma_wait3A_340 = arith.constant 0 : i32
    %dma_wait3A_341 = tpu.memref_slice %arg4[%dma_wait3A_339, %dma_wait3A_340] : memref<1024x2048xf32, #tpu.memory_space<hbm>> -> memref<1024x2048xf32, #tpu.memory_space<hbm>>
    tpu.wait_indirect_dma semaphore(%arg12 : memref<!tpu.dma_semaphore, #tpu.memory_space<semaphore_mem>>) src(%dma_wait3A_341 : memref<1024x2048xf32, #tpu.memory_space<hbm>>) dst(%dma_wait3A_336 : memref<8x2048xf32, #tpu.memory_space<vmem>>)
    %dma_wait3A_342 = arith.constant 1 : i32
    %dma_wait3A_343 = arith.constant 0 : i32
    %dma_wait3A_344 = arith.constant 0 : i32
    %dma_wait3A_345 = tpu.memref_slice %arg9[%dma_wait3A_342, %dma_wait3A_343, %dma_wait3A_344] : memref<2x8x2048xf32, #tpu.memory_space<vmem>> -> memref<1x8x2048xf32, #tpu.memory_space<vmem>>
    %dma_wait3A_346 = tpu.memref_squeeze %dma_wait3A_345 : memref<1x8x2048xf32, #tpu.memory_space<vmem>> -> memref<8x2048xf32, #tpu.memory_space<vmem>>
    %dma_wait3A_347 = arith.constant 0 : i32
    %dma_wait3A_348 = tpu.memref_slice %arg3[%add3A_232, %dma_wait3A_347] : memref<1024x2048xf32, #tpu.memory_space<hbm>> -> memref<8x2048xf32, #tpu.memory_space<hbm>>
    %dma_wait3A_349 = arith.constant 0 : i32
    %dma_wait3A_350 = arith.constant 0 : i32
    %dma_wait3A_351 = tpu.memref_slice %arg9[%dma_wait3A_342, %dma_wait3A_349, %dma_wait3A_350] : memref<2x8x2048xf32, #tpu.memory_space<vmem>> -> memref<1x8x2048xf32, #tpu.memory_space<vmem>>
    %dma_wait3A_352 = tpu.memref_squeeze %dma_wait3A_351 : memref<1x8x2048xf32, #tpu.memory_space<vmem>> -> memref<8x2048xf32, #tpu.memory_space<vmem>>
    %dma_wait3A_353 = arith.constant 0 : i32
    %dma_wait3A_354 = tpu.memref_slice %arg3[%add3A_232, %dma_wait3A_353] : memref<1024x2048xf32, #tpu.memory_space<hbm>> -> memref<8x2048xf32, #tpu.memory_space<hbm>>
    tpu.wait_dma2 semaphore(%arg14 : memref<!tpu.dma_semaphore, #tpu.memory_space<semaphore_mem>>) src(%dma_wait3A_354 : memref<8x2048xf32, #tpu.memory_space<hbm>>) dst(%dma_wait3A_352 : memref<8x2048xf32, #tpu.memory_space<vmem>>)
    %add3A_355 = arith.constant 24 : i32
    %add3A_356 = arith.addi %mul3A_2, %add3A_355 : i32
    %dma_start3A_357 = arith.constant 1 : i32
    %dma_start3A_358 = arith.constant 0 : i32
    %dma_start3A_359 = arith.constant 0 : i32
    %dma_start3A_360 = tpu.memref_slice %arg9[%dma_start3A_357, %dma_start3A_358, %dma_start3A_359] : memref<2x8x2048xf32, #tpu.memory_space<vmem>> -> memref<1x8x2048xf32, #tpu.memory_space<vmem>>
    %dma_start3A_361 = tpu.memref_squeeze %dma_start3A_360 : memref<1x8x2048xf32, #tpu.memory_space<vmem>> -> memref<8x2048xf32, #tpu.memory_space<vmem>>
    %dma_start3A_362 = arith.constant 0 : i32
    %dma_start3A_363 = tpu.memref_slice %arg6[%add3A_356, %dma_start3A_362] : memref<1024x2048xf32, #tpu.memory_space<hbm>> -> memref<8x2048xf32, #tpu.memory_space<hbm>>
    %dma_start3A_364 = arith.constant 0 : i32
    %dma_start3A_365 = tpu.memref_slice %arg6[%add3A_356, %dma_start3A_364] : memref<1024x2048xf32, #tpu.memory_space<hbm>> -> memref<8x2048xf32, #tpu.memory_space<hbm>>
    %dma_start3A_366 = arith.constant 0 : i32
    %dma_start3A_367 = arith.constant 0 : i32
    %dma_start3A_368 = tpu.memref_slice %arg9[%dma_start3A_357, %dma_start3A_366, %dma_start3A_367] : memref<2x8x2048xf32, #tpu.memory_space<vmem>> -> memref<1x8x2048xf32, #tpu.memory_space<vmem>>
    %dma_start3A_369 = tpu.memref_squeeze %dma_start3A_368 : memref<1x8x2048xf32, #tpu.memory_space<vmem>> -> memref<8x2048xf32, #tpu.memory_space<vmem>>
    tpu.enqueue_dma source(%dma_start3A_369 : memref<8x2048xf32, #tpu.memory_space<vmem>>) target(%dma_start3A_365 : memref<8x2048xf32, #tpu.memory_space<hbm>>) target_semaphore(%arg18 : memref<!tpu.dma_semaphore, #tpu.memory_space<semaphore_mem>>)
    %scan3A_370 = arith.constant 0 : i32
    %scan3A_371 = arith.constant 9.99999974E-6 : f32
    %scan3A_372 = arith.constant 0 : i32
    %scan3A_373 = arith.constant 128 : i32
    %scan3A_374 = arith.addi %scan3A_372, %scan3A_373 : i32
    %scan3A_375 = arith.constant 1 : i32
    scf.for %scan3A_444 = %scan3A_372 to %scan3A_374 step %scan3A_375  : i32 {
      %mul3A_445 = arith.constant 16 : i32
      %mul3A_446 = arith.muli %scan3A_444, %mul3A_445 : i32
      %get3A = arith.constant 1 : i32
      %get3A_447 = arith.constant 0 : i32
      %get3A_448 = arith.index_cast %get3A : i32 to index
      %get3A_449 = arith.index_cast %get3A_447 : i32 to index
      %get3A_450 = arith.index_cast %mul3A_446 : i32 to index
      %get3A_451 = tpu.vector_load %arg8[%get3A_448, %get3A_449, %get3A_450] {strides = array<i32>} : memref<2x8x2048xf32, #tpu.memory_space<vmem>>, vector<1x1x16xf32>,
      %get3A_452 = vector.shape_cast %get3A_451 : vector<1x1x16xf32> to vector<16xf32>
      %get3A_453 = arith.constant 1 : i32
      %get3A_454 = arith.constant 0 : i32
      %get3A_455 = arith.index_cast %get3A_453 : i32 to index
      %get3A_456 = arith.index_cast %get3A_454 : i32 to index
      %get3A_457 = arith.index_cast %mul3A_446 : i32 to index
      %get3A_458 = tpu.vector_load %arg9[%get3A_455, %get3A_456, %get3A_457] {strides = array<i32>} : memref<2x8x2048xf32, #tpu.memory_space<vmem>>, vector<1x1x16xf32>,
      %get3A_459 = vector.shape_cast %get3A_458 : vector<1x1x16xf32> to vector<16xf32>
      %sub3A = arith.subf %get3A_459, %get3A_452 : vector<16xf32>
      %mul3A_460 = vector.broadcast %scan3A_371 : f32 to vector<16xf32>
      %mul3A_461 = arith.mulf %sub3A, %mul3A_460 : vector<16xf32>
      %add3A_462 = arith.addf %get3A_452, %mul3A_461 : vector<16xf32>
      %swap3A = arith.constant 1 : i32
      %swap3A_463 = arith.constant 0 : i32
      %swap3A_464 = arith.index_cast %swap3A : i32 to index
      %swap3A_465 = arith.index_cast %swap3A_463 : i32 to index
      %swap3A_466 = arith.index_cast %mul3A_446 : i32 to index
      %swap3A_467 = tpu.vector_load %arg10[%swap3A_464, %swap3A_465, %swap3A_466] {strides = array<i32>} : memref<2x8x2048xf32, #tpu.memory_space<vmem>>, vector<1x1x16xf32>,
      %swap3A_468 = vector.shape_cast %swap3A_467 : vector<1x1x16xf32> to vector<16xf32>
      %swap3A_469 = vector.shape_cast %add3A_462 : vector<16xf32> to vector<1x1x16xf32>
      tpu.vector_store %arg10[%swap3A_464, %swap3A_465, %swap3A_466], %swap3A_469 {strides = array<i32>} : memref<2x8x2048xf32, #tpu.memory_space<vmem>>, vector<1x1x16xf32>,
      %get3A_470 = arith.constant 1 : i32
      %get3A_471 = arith.constant 1 : i32
      %get3A_472 = arith.index_cast %get3A_470 : i32 to index
      %get3A_473 = arith.index_cast %get3A_471 : i32 to index
      %get3A_474 = arith.index_cast %mul3A_446 : i32 to index
      %get3A_475 = tpu.vector_load %arg8[%get3A_472, %get3A_473, %get3A_474] {strides = array<i32>} : memref<2x8x2048xf32, #tpu.memory_space<vmem>>, vector<1x1x16xf32>,
      %get3A_476 = vector.shape_cast %get3A_475 : vector<1x1x16xf32> to vector<16xf32>
      %get3A_477 = arith.constant 1 : i32
      %get3A_478 = arith.constant 1 : i32
      %get3A_479 = arith.index_cast %get3A_477 : i32 to index
      %get3A_480 = arith.index_cast %get3A_478 : i32 to index
      %get3A_481 = arith.index_cast %mul3A_446 : i32 to index
      %get3A_482 = tpu.vector_load %arg9[%get3A_479, %get3A_480, %get3A_481] {strides = array<i32>} : memref<2x8x2048xf32, #tpu.memory_space<vmem>>, vector<1x1x16xf32>,
      %get3A_483 = vector.shape_cast %get3A_482 : vector<1x1x16xf32> to vector<16xf32>
      %sub3A_484 = arith.subf %get3A_483, %get3A_476 : vector<16xf32>
      %mul3A_485 = vector.broadcast %scan3A_371 : f32 to vector<16xf32>
      %mul3A_486 = arith.mulf %sub3A_484, %mul3A_485 : vector<16xf32>
      %add3A_487 = arith.addf %get3A_476, %mul3A_486 : vector<16xf32>
      %swap3A_488 = arith.constant 1 : i32
      %swap3A_489 = arith.constant 1 : i32
      %swap3A_490 = arith.index_cast %swap3A_488 : i32 to index
      %swap3A_491 = arith.index_cast %swap3A_489 : i32 to index
      %swap3A_492 = arith.index_cast %mul3A_446 : i32 to index
      %swap3A_493 = tpu.vector_load %arg10[%swap3A_490, %swap3A_491, %swap3A_492] {strides = array<i32>} : memref<2x8x2048xf32, #tpu.memory_space<vmem>>, vector<1x1x16xf32>,
      %swap3A_494 = vector.shape_cast %swap3A_493 : vector<1x1x16xf32> to vector<16xf32>
      %swap3A_495 = vector.shape_cast %add3A_487 : vector<16xf32> to vector<1x1x16xf32>
      tpu.vector_store %arg10[%swap3A_490, %swap3A_491, %swap3A_492], %swap3A_495 {strides = array<i32>} : memref<2x8x2048xf32, #tpu.memory_space<vmem>>, vector<1x1x16xf32>,
      %get3A_496 = arith.constant 1 : i32
      %get3A_497 = arith.constant 2 : i32
      %get3A_498 = arith.index_cast %get3A_496 : i32 to index
      %get3A_499 = arith.index_cast %get3A_497 : i32 to index
      %get3A_500 = arith.index_cast %mul3A_446 : i32 to index
      %get3A_501 = tpu.vector_load %arg8[%get3A_498, %get3A_499, %get3A_500] {strides = array<i32>} : memref<2x8x2048xf32, #tpu.memory_space<vmem>>, vector<1x1x16xf32>,
      %get3A_502 = vector.shape_cast %get3A_501 : vector<1x1x16xf32> to vector<16xf32>
      %get3A_503 = arith.constant 1 : i32
      %get3A_504 = arith.constant 2 : i32
      %get3A_505 = arith.index_cast %get3A_503 : i32 to index
      %get3A_506 = arith.index_cast %get3A_504 : i32 to index
      %get3A_507 = arith.index_cast %mul3A_446 : i32 to index
      %get3A_508 = tpu.vector_load %arg9[%get3A_505, %get3A_506, %get3A_507] {strides = array<i32>} : memref<2x8x2048xf32, #tpu.memory_space<vmem>>, vector<1x1x16xf32>,
      %get3A_509 = vector.shape_cast %get3A_508 : vector<1x1x16xf32> to vector<16xf32>
      %sub3A_510 = arith.subf %get3A_509, %get3A_502 : vector<16xf32>
      %mul3A_511 = vector.broadcast %scan3A_371 : f32 to vector<16xf32>
      %mul3A_512 = arith.mulf %sub3A_510, %mul3A_511 : vector<16xf32>
      %add3A_513 = arith.addf %get3A_502, %mul3A_512 : vector<16xf32>
      %swap3A_514 = arith.constant 1 : i32
      %swap3A_515 = arith.constant 2 : i32
      %swap3A_516 = arith.index_cast %swap3A_514 : i32 to index
      %swap3A_517 = arith.index_cast %swap3A_515 : i32 to index
      %swap3A_518 = arith.index_cast %mul3A_446 : i32 to index
      %swap3A_519 = tpu.vector_load %arg10[%swap3A_516, %swap3A_517, %swap3A_518] {strides = array<i32>} : memref<2x8x2048xf32, #tpu.memory_space<vmem>>, vector<1x1x16xf32>,
      %swap3A_520 = vector.shape_cast %swap3A_519 : vector<1x1x16xf32> to vector<16xf32>
      %swap3A_521 = vector.shape_cast %add3A_513 : vector<16xf32> to vector<1x1x16xf32>
      tpu.vector_store %arg10[%swap3A_516, %swap3A_517, %swap3A_518], %swap3A_521 {strides = array<i32>} : memref<2x8x2048xf32, #tpu.memory_space<vmem>>, vector<1x1x16xf32>,
      %get3A_522 = arith.constant 1 : i32
      %get3A_523 = arith.constant 3 : i32
      %get3A_524 = arith.index_cast %get3A_522 : i32 to index
      %get3A_525 = arith.index_cast %get3A_523 : i32 to index
      %get3A_526 = arith.index_cast %mul3A_446 : i32 to index
      %get3A_527 = tpu.vector_load %arg8[%get3A_524, %get3A_525, %get3A_526] {strides = array<i32>} : memref<2x8x2048xf32, #tpu.memory_space<vmem>>, vector<1x1x16xf32>,
      %get3A_528 = vector.shape_cast %get3A_527 : vector<1x1x16xf32> to vector<16xf32>
      %get3A_529 = arith.constant 1 : i32
      %get3A_530 = arith.constant 3 : i32
      %get3A_531 = arith.index_cast %get3A_529 : i32 to index
      %get3A_532 = arith.index_cast %get3A_530 : i32 to index
      %get3A_533 = arith.index_cast %mul3A_446 : i32 to index
      %get3A_534 = tpu.vector_load %arg9[%get3A_531, %get3A_532, %get3A_533] {strides = array<i32>} : memref<2x8x2048xf32, #tpu.memory_space<vmem>>, vector<1x1x16xf32>,
      %get3A_535 = vector.shape_cast %get3A_534 : vector<1x1x16xf32> to vector<16xf32>
      %sub3A_536 = arith.subf %get3A_535, %get3A_528 : vector<16xf32>
      %mul3A_537 = vector.broadcast %scan3A_371 : f32 to vector<16xf32>
      %mul3A_538 = arith.mulf %sub3A_536, %mul3A_537 : vector<16xf32>
      %add3A_539 = arith.addf %get3A_528, %mul3A_538 : vector<16xf32>
      %swap3A_540 = arith.constant 1 : i32
      %swap3A_541 = arith.constant 3 : i32
      %swap3A_542 = arith.index_cast %swap3A_540 : i32 to index
      %swap3A_543 = arith.index_cast %swap3A_541 : i32 to index
      %swap3A_544 = arith.index_cast %mul3A_446 : i32 to index
      %swap3A_545 = tpu.vector_load %arg10[%swap3A_542, %swap3A_543, %swap3A_544] {strides = array<i32>} : memref<2x8x2048xf32, #tpu.memory_space<vmem>>, vector<1x1x16xf32>,
      %swap3A_546 = vector.shape_cast %swap3A_545 : vector<1x1x16xf32> to vector<16xf32>
      %swap3A_547 = vector.shape_cast %add3A_539 : vector<16xf32> to vector<1x1x16xf32>
      tpu.vector_store %arg10[%swap3A_542, %swap3A_543, %swap3A_544], %swap3A_547 {strides = array<i32>} : memref<2x8x2048xf32, #tpu.memory_space<vmem>>, vector<1x1x16xf32>,
      %get3A_548 = arith.constant 1 : i32
      %get3A_549 = arith.constant 4 : i32
      %get3A_550 = arith.index_cast %get3A_548 : i32 to index
      %get3A_551 = arith.index_cast %get3A_549 : i32 to index
      %get3A_552 = arith.index_cast %mul3A_446 : i32 to index
      %get3A_553 = tpu.vector_load %arg8[%get3A_550, %get3A_551, %get3A_552] {strides = array<i32>} : memref<2x8x2048xf32, #tpu.memory_space<vmem>>, vector<1x1x16xf32>,
      %get3A_554 = vector.shape_cast %get3A_553 : vector<1x1x16xf32> to vector<16xf32>
      %get3A_555 = arith.constant 1 : i32
      %get3A_556 = arith.constant 4 : i32
      %get3A_557 = arith.index_cast %get3A_555 : i32 to index
      %get3A_558 = arith.index_cast %get3A_556 : i32 to index
      %get3A_559 = arith.index_cast %mul3A_446 : i32 to index
      %get3A_560 = tpu.vector_load %arg9[%get3A_557, %get3A_558, %get3A_559] {strides = array<i32>} : memref<2x8x2048xf32, #tpu.memory_space<vmem>>, vector<1x1x16xf32>,
      %get3A_561 = vector.shape_cast %get3A_560 : vector<1x1x16xf32> to vector<16xf32>
      %sub3A_562 = arith.subf %get3A_561, %get3A_554 : vector<16xf32>
      %mul3A_563 = vector.broadcast %scan3A_371 : f32 to vector<16xf32>
      %mul3A_564 = arith.mulf %sub3A_562, %mul3A_563 : vector<16xf32>
      %add3A_565 = arith.addf %get3A_554, %mul3A_564 : vector<16xf32>
      %swap3A_566 = arith.constant 1 : i32
      %swap3A_567 = arith.constant 4 : i32
      %swap3A_568 = arith.index_cast %swap3A_566 : i32 to index
      %swap3A_569 = arith.index_cast %swap3A_567 : i32 to index
      %swap3A_570 = arith.index_cast %mul3A_446 : i32 to index
      %swap3A_571 = tpu.vector_load %arg10[%swap3A_568, %swap3A_569, %swap3A_570] {strides = array<i32>} : memref<2x8x2048xf32, #tpu.memory_space<vmem>>, vector<1x1x16xf32>,
      %swap3A_572 = vector.shape_cast %swap3A_571 : vector<1x1x16xf32> to vector<16xf32>
      %swap3A_573 = vector.shape_cast %add3A_565 : vector<16xf32> to vector<1x1x16xf32>
      tpu.vector_store %arg10[%swap3A_568, %swap3A_569, %swap3A_570], %swap3A_573 {strides = array<i32>} : memref<2x8x2048xf32, #tpu.memory_space<vmem>>, vector<1x1x16xf32>,
      %get3A_574 = arith.constant 1 : i32
      %get3A_575 = arith.constant 5 : i32
      %get3A_576 = arith.index_cast %get3A_574 : i32 to index
      %get3A_577 = arith.index_cast %get3A_575 : i32 to index
      %get3A_578 = arith.index_cast %mul3A_446 : i32 to index
      %get3A_579 = tpu.vector_load %arg8[%get3A_576, %get3A_577, %get3A_578] {strides = array<i32>} : memref<2x8x2048xf32, #tpu.memory_space<vmem>>, vector<1x1x16xf32>,
      %get3A_580 = vector.shape_cast %get3A_579 : vector<1x1x16xf32> to vector<16xf32>
      %get3A_581 = arith.constant 1 : i32
      %get3A_582 = arith.constant 5 : i32
      %get3A_583 = arith.index_cast %get3A_581 : i32 to index
      %get3A_584 = arith.index_cast %get3A_582 : i32 to index
      %get3A_585 = arith.index_cast %mul3A_446 : i32 to index
      %get3A_586 = tpu.vector_load %arg9[%get3A_583, %get3A_584, %get3A_585] {strides = array<i32>} : memref<2x8x2048xf32, #tpu.memory_space<vmem>>, vector<1x1x16xf32>,
      %get3A_587 = vector.shape_cast %get3A_586 : vector<1x1x16xf32> to vector<16xf32>
      %sub3A_588 = arith.subf %get3A_587, %get3A_580 : vector<16xf32>
      %mul3A_589 = vector.broadcast %scan3A_371 : f32 to vector<16xf32>
      %mul3A_590 = arith.mulf %sub3A_588, %mul3A_589 : vector<16xf32>
      %add3A_591 = arith.addf %get3A_580, %mul3A_590 : vector<16xf32>
      %swap3A_592 = arith.constant 1 : i32
      %swap3A_593 = arith.constant 5 : i32
      %swap3A_594 = arith.index_cast %swap3A_592 : i32 to index
      %swap3A_595 = arith.index_cast %swap3A_593 : i32 to index
      %swap3A_596 = arith.index_cast %mul3A_446 : i32 to index
      %swap3A_597 = tpu.vector_load %arg10[%swap3A_594, %swap3A_595, %swap3A_596] {strides = array<i32>} : memref<2x8x2048xf32, #tpu.memory_space<vmem>>, vector<1x1x16xf32>,
      %swap3A_598 = vector.shape_cast %swap3A_597 : vector<1x1x16xf32> to vector<16xf32>
      %swap3A_599 = vector.shape_cast %add3A_591 : vector<16xf32> to vector<1x1x16xf32>
      tpu.vector_store %arg10[%swap3A_594, %swap3A_595, %swap3A_596], %swap3A_599 {strides = array<i32>} : memref<2x8x2048xf32, #tpu.memory_space<vmem>>, vector<1x1x16xf32>,
      %get3A_600 = arith.constant 1 : i32
      %get3A_601 = arith.constant 6 : i32
      %get3A_602 = arith.index_cast %get3A_600 : i32 to index
      %get3A_603 = arith.index_cast %get3A_601 : i32 to index
      %get3A_604 = arith.index_cast %mul3A_446 : i32 to index
      %get3A_605 = tpu.vector_load %arg8[%get3A_602, %get3A_603, %get3A_604] {strides = array<i32>} : memref<2x8x2048xf32, #tpu.memory_space<vmem>>, vector<1x1x16xf32>,
      %get3A_606 = vector.shape_cast %get3A_605 : vector<1x1x16xf32> to vector<16xf32>
      %get3A_607 = arith.constant 1 : i32
      %get3A_608 = arith.constant 6 : i32
      %get3A_609 = arith.index_cast %get3A_607 : i32 to index
      %get3A_610 = arith.index_cast %get3A_608 : i32 to index
      %get3A_611 = arith.index_cast %mul3A_446 : i32 to index
      %get3A_612 = tpu.vector_load %arg9[%get3A_609, %get3A_610, %get3A_611] {strides = array<i32>} : memref<2x8x2048xf32, #tpu.memory_space<vmem>>, vector<1x1x16xf32>,
      %get3A_613 = vector.shape_cast %get3A_612 : vector<1x1x16xf32> to vector<16xf32>
      %sub3A_614 = arith.subf %get3A_613, %get3A_606 : vector<16xf32>
      %mul3A_615 = vector.broadcast %scan3A_371 : f32 to vector<16xf32>
      %mul3A_616 = arith.mulf %sub3A_614, %mul3A_615 : vector<16xf32>
      %add3A_617 = arith.addf %get3A_606, %mul3A_616 : vector<16xf32>
      %swap3A_618 = arith.constant 1 : i32
      %swap3A_619 = arith.constant 6 : i32
      %swap3A_620 = arith.index_cast %swap3A_618 : i32 to index
      %swap3A_621 = arith.index_cast %swap3A_619 : i32 to index
      %swap3A_622 = arith.index_cast %mul3A_446 : i32 to index
      %swap3A_623 = tpu.vector_load %arg10[%swap3A_620, %swap3A_621, %swap3A_622] {strides = array<i32>} : memref<2x8x2048xf32, #tpu.memory_space<vmem>>, vector<1x1x16xf32>,
      %swap3A_624 = vector.shape_cast %swap3A_623 : vector<1x1x16xf32> to vector<16xf32>
      %swap3A_625 = vector.shape_cast %add3A_617 : vector<16xf32> to vector<1x1x16xf32>
      tpu.vector_store %arg10[%swap3A_620, %swap3A_621, %swap3A_622], %swap3A_625 {strides = array<i32>} : memref<2x8x2048xf32, #tpu.memory_space<vmem>>, vector<1x1x16xf32>,
      %get3A_626 = arith.constant 1 : i32
      %get3A_627 = arith.constant 7 : i32
      %get3A_628 = arith.index_cast %get3A_626 : i32 to index
      %get3A_629 = arith.index_cast %get3A_627 : i32 to index
      %get3A_630 = arith.index_cast %mul3A_446 : i32 to index
      %get3A_631 = tpu.vector_load %arg8[%get3A_628, %get3A_629, %get3A_630] {strides = array<i32>} : memref<2x8x2048xf32, #tpu.memory_space<vmem>>, vector<1x1x16xf32>,
      %get3A_632 = vector.shape_cast %get3A_631 : vector<1x1x16xf32> to vector<16xf32>
      %get3A_633 = arith.constant 1 : i32
      %get3A_634 = arith.constant 7 : i32
      %get3A_635 = arith.index_cast %get3A_633 : i32 to index
      %get3A_636 = arith.index_cast %get3A_634 : i32 to index
      %get3A_637 = arith.index_cast %mul3A_446 : i32 to index
      %get3A_638 = tpu.vector_load %arg9[%get3A_635, %get3A_636, %get3A_637] {strides = array<i32>} : memref<2x8x2048xf32, #tpu.memory_space<vmem>>, vector<1x1x16xf32>,
      %get3A_639 = vector.shape_cast %get3A_638 : vector<1x1x16xf32> to vector<16xf32>
      %sub3A_640 = arith.subf %get3A_639, %get3A_632 : vector<16xf32>
      %mul3A_641 = vector.broadcast %scan3A_371 : f32 to vector<16xf32>
      %mul3A_642 = arith.mulf %sub3A_640, %mul3A_641 : vector<16xf32>
      %add3A_643 = arith.addf %get3A_632, %mul3A_642 : vector<16xf32>
      %swap3A_644 = arith.constant 1 : i32
      %swap3A_645 = arith.constant 7 : i32
      %swap3A_646 = arith.index_cast %swap3A_644 : i32 to index
      %swap3A_647 = arith.index_cast %swap3A_645 : i32 to index
      %swap3A_648 = arith.index_cast %mul3A_446 : i32 to index
      %swap3A_649 = tpu.vector_load %arg10[%swap3A_646, %swap3A_647, %swap3A_648] {strides = array<i32>} : memref<2x8x2048xf32, #tpu.memory_space<vmem>>, vector<1x1x16xf32>,
      %swap3A_650 = vector.shape_cast %swap3A_649 : vector<1x1x16xf32> to vector<16xf32>
      %swap3A_651 = vector.shape_cast %add3A_643 : vector<16xf32> to vector<1x1x16xf32>
      tpu.vector_store %arg10[%swap3A_646, %swap3A_647, %swap3A_648], %swap3A_651 {strides = array<i32>} : memref<2x8x2048xf32, #tpu.memory_space<vmem>>, vector<1x1x16xf32>,
    }
    %scan3A_376 = arith.constant 128 : i32
    %add3A_377 = arith.constant 24 : i32
    %add3A_378 = arith.addi %mul3A_2, %add3A_377 : i32
    %dma_start3A_379 = arith.constant 1 : i32
    %dma_start3A_380 = arith.constant 0 : i32
    %dma_start3A_381 = arith.constant 0 : i32
    %dma_start3A_382 = tpu.memref_slice %arg10[%dma_start3A_379, %dma_start3A_380, %dma_start3A_381] : memref<2x8x2048xf32, #tpu.memory_space<vmem>> -> memref<1x8x2048xf32, #tpu.memory_space<vmem>>
    %dma_start3A_383 = tpu.memref_squeeze %dma_start3A_382 : memref<1x8x2048xf32, #tpu.memory_space<vmem>> -> memref<8x2048xf32, #tpu.memory_space<vmem>>
    %dma_start3A_384 = arith.constant 0 : i32
    %dma_start3A_385 = tpu.memref_slice %arg5[%add3A_378, %dma_start3A_384] : memref<1024x2048xf32, #tpu.memory_space<hbm>> -> memref<8x2048xf32, #tpu.memory_space<hbm>>
    %dma_start3A_386 = arith.constant 0 : i32
    %dma_start3A_387 = tpu.memref_slice %arg5[%add3A_378, %dma_start3A_386] : memref<1024x2048xf32, #tpu.memory_space<hbm>> -> memref<8x2048xf32, #tpu.memory_space<hbm>>
    %dma_start3A_388 = arith.constant 0 : i32
    %dma_start3A_389 = arith.constant 0 : i32
    %dma_start3A_390 = tpu.memref_slice %arg10[%dma_start3A_379, %dma_start3A_388, %dma_start3A_389] : memref<2x8x2048xf32, #tpu.memory_space<vmem>> -> memref<1x8x2048xf32, #tpu.memory_space<vmem>>
    %dma_start3A_391 = tpu.memref_squeeze %dma_start3A_390 : memref<1x8x2048xf32, #tpu.memory_space<vmem>> -> memref<8x2048xf32, #tpu.memory_space<vmem>>
    tpu.enqueue_dma source(%dma_start3A_391 : memref<8x2048xf32, #tpu.memory_space<vmem>>) target(%dma_start3A_387 : memref<8x2048xf32, #tpu.memory_space<hbm>>) target_semaphore(%arg16 : memref<!tpu.dma_semaphore, #tpu.memory_space<semaphore_mem>>)
    %dma_wait3A_392 = arith.constant 0 : i32
    %dma_wait3A_393 = arith.constant 0 : i32
    %dma_wait3A_394 = arith.constant 0 : i32
    %dma_wait3A_395 = tpu.memref_slice %arg10[%dma_wait3A_392, %dma_wait3A_393, %dma_wait3A_394] : memref<2x8x2048xf32, #tpu.memory_space<vmem>> -> memref<1x8x2048xf32, #tpu.memory_space<vmem>>
    %dma_wait3A_396 = tpu.memref_squeeze %dma_wait3A_395 : memref<1x8x2048xf32, #tpu.memory_space<vmem>> -> memref<8x2048xf32, #tpu.memory_space<vmem>>
    %dma_wait3A_397 = arith.constant 0 : i32
    %dma_wait3A_398 = tpu.memref_slice %arg5[%add3A_305, %dma_wait3A_397] : memref<1024x2048xf32, #tpu.memory_space<hbm>> -> memref<8x2048xf32, #tpu.memory_space<hbm>>
    %dma_wait3A_399 = arith.constant 0 : i32
    %dma_wait3A_400 = tpu.memref_slice %arg5[%add3A_305, %dma_wait3A_399] : memref<1024x2048xf32, #tpu.memory_space<hbm>> -> memref<8x2048xf32, #tpu.memory_space<hbm>>
    %dma_wait3A_401 = arith.constant 0 : i32
    %dma_wait3A_402 = arith.constant 0 : i32
    %dma_wait3A_403 = tpu.memref_slice %arg10[%dma_wait3A_392, %dma_wait3A_401, %dma_wait3A_402] : memref<2x8x2048xf32, #tpu.memory_space<vmem>> -> memref<1x8x2048xf32, #tpu.memory_space<vmem>>
    %dma_wait3A_404 = tpu.memref_squeeze %dma_wait3A_403 : memref<1x8x2048xf32, #tpu.memory_space<vmem>> -> memref<8x2048xf32, #tpu.memory_space<vmem>>
    tpu.wait_dma2 semaphore(%arg15 : memref<!tpu.dma_semaphore, #tpu.memory_space<semaphore_mem>>) src(%dma_wait3A_404 : memref<8x2048xf32, #tpu.memory_space<vmem>>) dst(%dma_wait3A_400 : memref<8x2048xf32, #tpu.memory_space<hbm>>)
    %dma_wait3A_405 = arith.constant 1 : i32
    %dma_wait3A_406 = arith.constant 0 : i32
    %dma_wait3A_407 = arith.constant 0 : i32
    %dma_wait3A_408 = tpu.memref_slice %arg10[%dma_wait3A_405, %dma_wait3A_406, %dma_wait3A_407] : memref<2x8x2048xf32, #tpu.memory_space<vmem>> -> memref<1x8x2048xf32, #tpu.memory_space<vmem>>
    %dma_wait3A_409 = tpu.memref_squeeze %dma_wait3A_408 : memref<1x8x2048xf32, #tpu.memory_space<vmem>> -> memref<8x2048xf32, #tpu.memory_space<vmem>>
    %dma_wait3A_410 = arith.constant 0 : i32
    %dma_wait3A_411 = tpu.memref_slice %arg5[%add3A_378, %dma_wait3A_410] : memref<1024x2048xf32, #tpu.memory_space<hbm>> -> memref<8x2048xf32, #tpu.memory_space<hbm>>
    %dma_wait3A_412 = arith.constant 0 : i32
    %dma_wait3A_413 = tpu.memref_slice %arg5[%add3A_378, %dma_wait3A_412] : memref<1024x2048xf32, #tpu.memory_space<hbm>> -> memref<8x2048xf32, #tpu.memory_space<hbm>>
    %dma_wait3A_414 = arith.constant 0 : i32
    %dma_wait3A_415 = arith.constant 0 : i32
    %dma_wait3A_416 = tpu.memref_slice %arg10[%dma_wait3A_405, %dma_wait3A_414, %dma_wait3A_415] : memref<2x8x2048xf32, #tpu.memory_space<vmem>> -> memref<1x8x2048xf32, #tpu.memory_space<vmem>>
    %dma_wait3A_417 = tpu.memref_squeeze %dma_wait3A_416 : memref<1x8x2048xf32, #tpu.memory_space<vmem>> -> memref<8x2048xf32, #tpu.memory_space<vmem>>
    tpu.wait_dma2 semaphore(%arg16 : memref<!tpu.dma_semaphore, #tpu.memory_space<semaphore_mem>>) src(%dma_wait3A_417 : memref<8x2048xf32, #tpu.memory_space<vmem>>) dst(%dma_wait3A_413 : memref<8x2048xf32, #tpu.memory_space<hbm>>)
    %dma_wait3A_418 = arith.constant 0 : i32
    %dma_wait3A_419 = arith.constant 0 : i32
    %dma_wait3A_420 = arith.constant 0 : i32
    %dma_wait3A_421 = tpu.memref_slice %arg9[%dma_wait3A_418, %dma_wait3A_419, %dma_wait3A_420] : memref<2x8x2048xf32, #tpu.memory_space<vmem>> -> memref<1x8x2048xf32, #tpu.memory_space<vmem>>
    %dma_wait3A_422 = tpu.memref_squeeze %dma_wait3A_421 : memref<1x8x2048xf32, #tpu.memory_space<vmem>> -> memref<8x2048xf32, #tpu.memory_space<vmem>>
    %dma_wait3A_423 = arith.constant 0 : i32
    %dma_wait3A_424 = tpu.memref_slice %arg6[%add3A_283, %dma_wait3A_423] : memref<1024x2048xf32, #tpu.memory_space<hbm>> -> memref<8x2048xf32, #tpu.memory_space<hbm>>
    %dma_wait3A_425 = arith.constant 0 : i32
    %dma_wait3A_426 = tpu.memref_slice %arg6[%add3A_283, %dma_wait3A_425] : memref<1024x2048xf32, #tpu.memory_space<hbm>> -> memref<8x2048xf32, #tpu.memory_space<hbm>>
    %dma_wait3A_427 = arith.constant 0 : i32
    %dma_wait3A_428 = arith.constant 0 : i32
    %dma_wait3A_429 = tpu.memref_slice %arg9[%dma_wait3A_418, %dma_wait3A_427, %dma_wait3A_428] : memref<2x8x2048xf32, #tpu.memory_space<vmem>> -> memref<1x8x2048xf32, #tpu.memory_space<vmem>>
    %dma_wait3A_430 = tpu.memref_squeeze %dma_wait3A_429 : memref<1x8x2048xf32, #tpu.memory_space<vmem>> -> memref<8x2048xf32, #tpu.memory_space<vmem>>
    tpu.wait_dma2 semaphore(%arg17 : memref<!tpu.dma_semaphore, #tpu.memory_space<semaphore_mem>>) src(%dma_wait3A_430 : memref<8x2048xf32, #tpu.memory_space<vmem>>) dst(%dma_wait3A_426 : memref<8x2048xf32, #tpu.memory_space<hbm>>)
    %dma_wait3A_431 = arith.constant 1 : i32
    %dma_wait3A_432 = arith.constant 0 : i32
    %dma_wait3A_433 = arith.constant 0 : i32
    %dma_wait3A_434 = tpu.memref_slice %arg9[%dma_wait3A_431, %dma_wait3A_432, %dma_wait3A_433] : memref<2x8x2048xf32, #tpu.memory_space<vmem>> -> memref<1x8x2048xf32, #tpu.memory_space<vmem>>
    %dma_wait3A_435 = tpu.memref_squeeze %dma_wait3A_434 : memref<1x8x2048xf32, #tpu.memory_space<vmem>> -> memref<8x2048xf32, #tpu.memory_space<vmem>>
    %dma_wait3A_436 = arith.constant 0 : i32
    %dma_wait3A_437 = tpu.memref_slice %arg6[%add3A_356, %dma_wait3A_436] : memref<1024x2048xf32, #tpu.memory_space<hbm>> -> memref<8x2048xf32, #tpu.memory_space<hbm>>
    %dma_wait3A_438 = arith.constant 0 : i32
    %dma_wait3A_439 = tpu.memref_slice %arg6[%add3A_356, %dma_wait3A_438] : memref<1024x2048xf32, #tpu.memory_space<hbm>> -> memref<8x2048xf32, #tpu.memory_space<hbm>>
    %dma_wait3A_440 = arith.constant 0 : i32
    %dma_wait3A_441 = arith.constant 0 : i32
    %dma_wait3A_442 = tpu.memref_slice %arg9[%dma_wait3A_431, %dma_wait3A_440, %dma_wait3A_441] : memref<2x8x2048xf32, #tpu.memory_space<vmem>> -> memref<1x8x2048xf32, #tpu.memory_space<vmem>>
    %dma_wait3A_443 = tpu.memref_squeeze %dma_wait3A_442 : memref<1x8x2048xf32, #tpu.memory_space<vmem>> -> memref<8x2048xf32, #tpu.memory_space<vmem>>
    tpu.wait_dma2 semaphore(%arg18 : memref<!tpu.dma_semaphore, #tpu.memory_space<semaphore_mem>>) src(%dma_wait3A_443 : memref<8x2048xf32, #tpu.memory_space<vmem>>) dst(%dma_wait3A_439 : memref<8x2048xf32, #tpu.memory_space<hbm>>)
    return
  }
}

module attributes {stable_mosaic.version = 14 : i64} {
  func.func @_sim_body(%arg0: i32, %arg1: memref<1024x512xf32, #tpu.memory_space<vmem>>, %arg2: memref<1024x512xf32, #tpu.memory_space<vmem>>, %arg3: memref<8x1024xf32, #tpu.memory_space<vmem>>, %arg4: memref<8x1024xf32, #tpu.memory_space<vmem>>, %arg5: memref<1024xi32, #tpu.memory_space<vmem>>, %arg6: memref<1024x1024xf32, #tpu.memory_space<vmem>>) attributes {dimension_semantics = [#tpu.dimension_semantics<arbitrary>], iteration_bounds = array<i64: 4>, scalar_prefetch = 0 : i64, scratch_operands = 1 : i64, tpu.core_type = #tpu.core_type<tc>, window_params = [{transform_indices = @transform_0, window_bounds = array<i64: 1024, 512>}, {transform_indices = @transform_1, window_bounds = array<i64: 1024, 512>}, {pipeline_mode = #tpu.pipeline_mode<synchronous>, transform_indices = @transform_2, window_bounds = array<i64: 8, 1024>}, {pipeline_mode = #tpu.pipeline_mode<synchronous>, transform_indices = @transform_3, window_bounds = array<i64: 8, 1024>}, {pipeline_mode = #tpu.pipeline_mode<synchronous>, transform_indices = @transform_4, window_bounds = array<i64: 1024>}]} {
    %get3A = arith.constant 0 : index
    %get3A_0 = arith.constant 0 : index
    %get3A_1 = vector.load %arg1[%get3A, %get3A_0] : memref<1024x512xf32, #tpu.memory_space<vmem>>, vector<1024x512xf32>
    %get3A_2 = arith.constant 0 : index
    %get3A_3 = arith.constant 0 : index
    %get3A_4 = vector.load %arg2[%get3A_2, %get3A_3] : memref<1024x512xf32, #tpu.memory_space<vmem>>, vector<1024x512xf32>
    %dot_general3A = arith.constant dense<0.000000e+00> : vector<1024x1024xf32>
    %dot_general3A_5 = tpu.matmul %get3A_1, %get3A_4, %dot_general3A {dimension_numbers = #tpu.dot_dimension_numbers<[1], [1], [0], [0], [0, 0, 1, 0], [], []>, transpose_lhs_hint = false} : vector<1024x512xf32>, vector<1024x512xf32>, vector<1024x1024xf32> -> vector<1024x1024xf32>
    %eq3A = arith.constant 0 : i32
    %eq3A_6 = arith.cmpi eq, %arg0, %eq3A : i32
    %convert_element_type3A = arith.extui %eq3A_6 : i1 to i32
    %cond3A = arith.constant 0 : i32
    %cond3A_7 = arith.cmpi ne, %convert_element_type3A, %cond3A : i32
    scf.if %cond3A_7 {
      %swap3A = arith.constant 0 : index
      %swap3A_17 = arith.constant 0 : index
      %swap3A_18 = vector.load %arg6[%swap3A, %swap3A_17] : memref<1024x1024xf32, #tpu.memory_space<vmem>>, vector<1024x1024xf32>
      tpu.vector_store %arg6[%swap3A, %swap3A_17], %dot_general3A_5 {strides = array<i32>} : memref<1024x1024xf32, #tpu.memory_space<vmem>>, vector<1024x1024xf32>,
    } else {
    }
    %gt3A = arith.constant 0 : i32
    %gt3A_8 = arith.cmpi sgt, %arg0, %gt3A : i32
    %convert_element_type3A_9 = arith.extui %gt3A_8 : i1 to i32
    %cond3A_10 = arith.constant 0 : i32
    %cond3A_11 = arith.cmpi ne, %convert_element_type3A_9, %cond3A_10 : i32
    scf.if %cond3A_11 {
      %get3A_17 = arith.constant 0 : index
      %get3A_18 = arith.constant 0 : index
      %get3A_19 = vector.load %arg6[%get3A_17, %get3A_18] : memref<1024x1024xf32, #tpu.memory_space<vmem>>, vector<1024x1024xf32>
      %add3A = arith.addf %get3A_19, %dot_general3A_5 : vector<1024x1024xf32>
      %swap3A = arith.constant 0 : index
      %swap3A_20 = arith.constant 0 : index
      %swap3A_21 = vector.load %arg6[%swap3A, %swap3A_20] : memref<1024x1024xf32, #tpu.memory_space<vmem>>, vector<1024x1024xf32>
      tpu.vector_store %arg6[%swap3A, %swap3A_20], %add3A {strides = array<i32>} : memref<1024x1024xf32, #tpu.memory_space<vmem>>, vector<1024x1024xf32>,
    } else {
    }
    %eq3A_12 = arith.constant 3 : i32
    %eq3A_13 = arith.cmpi eq, %arg0, %eq3A_12 : i32
    %convert_element_type3A_14 = arith.extui %eq3A_13 : i1 to i32
    %cond3A_15 = arith.constant 0 : i32
    %cond3A_16 = arith.cmpi ne, %convert_element_type3A_14, %cond3A_15 : i32
    scf.if %cond3A_16 {
      %get3A_17 = arith.constant 0 : index
      %get3A_18 = arith.constant 0 : index
      %get3A_19 = vector.load %arg6[%get3A_17, %get3A_18] : memref<1024x1024xf32, #tpu.memory_space<vmem>>, vector<1024x1024xf32>
      %reduce_max3A = arith.constant dense<0xFF800000> : vector<1024xf32>
      %reduce_max3A_20 = vector.multi_reduction <maximumf>, %get3A_19, %reduce_max3A [1] : vector<1024x1024xf32> to vector<1024xf32>
      %broadcast_in_dim3A = vector.shape_cast %reduce_max3A_20 : vector<1024xf32> to vector<1024x1xf32>
      %sub3A = vector.broadcast %broadcast_in_dim3A : vector<1024x1xf32> to vector<1024x1024xf32>
      %sub3A_21 = arith.subf %get3A_19, %sub3A : vector<1024x1024xf32>
      %exp3A = math.exp %sub3A_21 : vector<1024x1024xf32>
      %reduce_sum3A = arith.constant dense<0.000000e+00> : vector<1024xf32>
      %reduce_sum3A_22 = vector.multi_reduction <add>, %exp3A, %reduce_sum3A [1] : vector<1024x1024xf32> to vector<1024xf32>
      %broadcast_in_dim3A_23 = vector.shape_cast %reduce_sum3A_22 : vector<1024xf32> to vector<1024x1xf32>
      %div3A = vector.broadcast %broadcast_in_dim3A_23 : vector<1024x1xf32> to vector<1024x1024xf32>
      %div3A_24 = arith.divf %exp3A, %div3A : vector<1024x1024xf32>
      %get3A_25 = arith.constant 0 : index
      %get3A_26 = arith.constant 0 : index
      %get3A_27 = vector.load %arg3[%get3A_25, %get3A_26] : memref<8x1024xf32, #tpu.memory_space<vmem>>, vector<8x1024xf32>
      %dot_general3A_28 = arith.constant dense<0.000000e+00> : vector<8x1024xf32>
      %dot_general3A_29 = tpu.matmul %get3A_27, %div3A_24, %dot_general3A_28 {dimension_numbers = #tpu.dot_dimension_numbers<[1], [1], [0], [0], [0, 0, 1, 0], [], []>, transpose_lhs_hint = false} : vector<8x1024xf32>, vector<1024x1024xf32>, vector<8x1024xf32> -> vector<8x1024xf32>
      %swap3A = arith.constant 0 : index
      %swap3A_30 = arith.constant 0 : index
      %swap3A_31 = vector.load %arg4[%swap3A, %swap3A_30] : memref<8x1024xf32, #tpu.memory_space<vmem>>, vector<8x1024xf32>
      tpu.vector_store %arg4[%swap3A, %swap3A_30], %dot_general3A_29 {strides = array<i32>} : memref<8x1024xf32, #tpu.memory_space<vmem>>, vector<8x1024xf32>,
      %iota3A = tpu.iota {dimensions = array<i32: 1>} : vector<1024x1024xi32>
      %eq3A_32 = vector.broadcast %broadcast_in_dim3A : vector<1024x1xf32> to vector<1024x1024xf32>
      %eq3A_33 = arith.cmpf oeq, %get3A_19, %eq3A_32 : vector<1024x1024xf32>
      %jit3A = arith.constant 1024 : i32
      %broadcast_in_dim3A_34 = vector.broadcast %jit3A : i32 to vector<1024x1024xi32>
      %select_n3A = arith.select %eq3A_33, %iota3A, %broadcast_in_dim3A_34 : vector<1024x1024xi1>, vector<1024x1024xi32>
      %reduce_min3A = arith.constant dense<2147483647> : vector<1024xi32>
      %reduce_min3A_35 = vector.multi_reduction <minsi>, %select_n3A, %reduce_min3A [1] : vector<1024x1024xi32> to vector<1024xi32>
      %swap3A_36 = arith.constant 0 : index
      %swap3A_37 = vector.load %arg5[%swap3A_36] : memref<1024xi32, #tpu.memory_space<vmem>>, vector<1024xi32>
      tpu.vector_store %arg5[%swap3A_36], %reduce_min3A_35 {strides = array<i32>} : memref<1024xi32, #tpu.memory_space<vmem>>, vector<1024xi32>,
    } else {
    }
    return
  }
  func.func @transform_0(%arg0: i32) -> (i32, i32) {
    %c0_i32 = arith.constant 0 : i32
    %c0_i32_0 = arith.constant 0 : i32
    return %c0_i32, %arg0 : i32, i32
  }
  func.func @transform_1(%arg0: i32) -> (i32, i32) {
    %c0_i32 = arith.constant 0 : i32
    %c0_i32_0 = arith.constant 0 : i32
    return %c0_i32, %arg0 : i32, i32
  }
  func.func @transform_2(%arg0: i32) -> (i32, i32) {
    %c0_i32 = arith.constant 0 : i32
    %c0_i32_0 = arith.constant 0 : i32
    %c0_i32_1 = arith.constant 0 : i32
    return %c0_i32, %c0_i32_0 : i32, i32
  }
  func.func @transform_3(%arg0: i32) -> (i32, i32) {
    %c0_i32 = arith.constant 0 : i32
    %c0_i32_0 = arith.constant 0 : i32
    %c0_i32_1 = arith.constant 0 : i32
    return %c0_i32, %c0_i32_0 : i32, i32
  }
  func.func @transform_4(%arg0: i32) -> i32 {
    %c0_i32 = arith.constant 0 : i32
    %c0_i32_0 = arith.constant 0 : i32
    return %c0_i32 : i32
  }
}

module attributes {stable_mosaic.version = 14 : i64} {
  func.func @_mlp_body(%arg0: i32, %arg1: memref<1024x512xf32, #tpu.memory_space<vmem>>, %arg2: memref<512x2048xf32, #tpu.memory_space<vmem>>, %arg3: memref<1x2048xf32, #tpu.memory_space<vmem>>, %arg4: memref<8x2048xf32, #tpu.memory_space<vmem>>, %arg5: memref<8x1xf32, #tpu.memory_space<vmem>>, %arg6: memref<8x1024xf32, #tpu.memory_space<vmem>>, %arg7: memref<1024x2048xf32, #tpu.memory_space<vmem>>, %arg8: memref<8x2048xbf16, #tpu.memory_space<vmem>>) attributes {dimension_semantics = [#tpu.dimension_semantics<arbitrary>], iteration_bounds = array<i64: 4>, scalar_prefetch = 0 : i64, scratch_operands = 2 : i64, tpu.core_type = #tpu.core_type<tc>, window_params = [{transform_indices = @transform_0, window_bounds = array<i64: 1024, 512>}, {transform_indices = @transform_1, window_bounds = array<i64: 512, 2048>}, {pipeline_mode = #tpu.pipeline_mode<synchronous>, transform_indices = @transform_2, window_bounds = array<i64: 1, 2048>}, {pipeline_mode = #tpu.pipeline_mode<synchronous>, transform_indices = @transform_3, window_bounds = array<i64: 8, 2048>}, {pipeline_mode = #tpu.pipeline_mode<synchronous>, transform_indices = @transform_4, window_bounds = array<i64: 8, 1>}, {pipeline_mode = #tpu.pipeline_mode<synchronous>, transform_indices = @transform_5, window_bounds = array<i64: 8, 1024>}]} {
    %get3A = arith.constant 0 : index
    %get3A_0 = arith.constant 0 : index
    %get3A_1 = vector.load %arg1[%get3A, %get3A_0] : memref<1024x512xf32, #tpu.memory_space<vmem>>, vector<1024x512xf32>
    %convert_element_type3A = arith.truncf %get3A_1 : vector<1024x512xf32> to vector<1024x512xbf16>
    %get3A_2 = arith.constant 0 : index
    %get3A_3 = arith.constant 0 : index
    %get3A_4 = vector.load %arg2[%get3A_2, %get3A_3] : memref<512x2048xf32, #tpu.memory_space<vmem>>, vector<512x2048xf32>
    %convert_element_type3A_5 = arith.truncf %get3A_4 : vector<512x2048xf32> to vector<512x2048xbf16>
    %dot_general3A = arith.constant dense<0.000000e+00> : vector<1024x2048xf32>
    %dot_general3A_6 = tpu.matmul %convert_element_type3A, %convert_element_type3A_5, %dot_general3A {dimension_numbers = #tpu.dot_dimension_numbers<[1], [0], [0], [1], [0, 0, 1, 1], [], []>, transpose_lhs_hint = false} : vector<1024x512xbf16>, vector<512x2048xbf16>, vector<1024x2048xf32> -> vector<1024x2048xf32>
    %eq3A = arith.constant 0 : i32
    %eq3A_7 = arith.cmpi eq, %arg0, %eq3A : i32
    %convert_element_type3A_8 = arith.extui %eq3A_7 : i1 to i32
    %cond3A = arith.constant 0 : i32
    %cond3A_9 = arith.cmpi ne, %convert_element_type3A_8, %cond3A : i32
    scf.if %cond3A_9 {
      %swap3A = arith.constant 0 : index
      %swap3A_19 = arith.constant 0 : index
      %swap3A_20 = vector.load %arg7[%swap3A, %swap3A_19] : memref<1024x2048xf32, #tpu.memory_space<vmem>>, vector<1024x2048xf32>
      tpu.vector_store %arg7[%swap3A, %swap3A_19], %dot_general3A_6 {strides = array<i32>} : memref<1024x2048xf32, #tpu.memory_space<vmem>>, vector<1024x2048xf32>,
      %get3A_21 = arith.constant 0 : index
      %get3A_22 = arith.constant 0 : index
      %get3A_23 = vector.load %arg4[%get3A_21, %get3A_22] : memref<8x2048xf32, #tpu.memory_space<vmem>>, vector<8x2048xf32>
      %convert_element_type3A_24 = arith.truncf %get3A_23 : vector<8x2048xf32> to vector<8x2048xbf16>
      %swap3A_25 = arith.constant 0 : index
      %swap3A_26 = arith.constant 0 : index
      %swap3A_27 = vector.load %arg8[%swap3A_25, %swap3A_26] : memref<8x2048xbf16, #tpu.memory_space<vmem>>, vector<8x2048xbf16>
      tpu.vector_store %arg8[%swap3A_25, %swap3A_26], %convert_element_type3A_24 {strides = array<i32>} : memref<8x2048xbf16, #tpu.memory_space<vmem>>, vector<8x2048xbf16>,
    } else {
    }
    %gt3A = arith.constant 0 : i32
    %gt3A_10 = arith.cmpi sgt, %arg0, %gt3A : i32
    %convert_element_type3A_11 = arith.extui %gt3A_10 : i1 to i32
    %cond3A_12 = arith.constant 0 : i32
    %cond3A_13 = arith.cmpi ne, %convert_element_type3A_11, %cond3A_12 : i32
    scf.if %cond3A_13 {
      %get3A_19 = arith.constant 0 : index
      %get3A_20 = arith.constant 0 : index
      %get3A_21 = vector.load %arg7[%get3A_19, %get3A_20] : memref<1024x2048xf32, #tpu.memory_space<vmem>>, vector<1024x2048xf32>
      %add3A = arith.addf %get3A_21, %dot_general3A_6 : vector<1024x2048xf32>
      %swap3A = arith.constant 0 : index
      %swap3A_22 = arith.constant 0 : index
      %swap3A_23 = vector.load %arg7[%swap3A, %swap3A_22] : memref<1024x2048xf32, #tpu.memory_space<vmem>>, vector<1024x2048xf32>
      tpu.vector_store %arg7[%swap3A, %swap3A_22], %add3A {strides = array<i32>} : memref<1024x2048xf32, #tpu.memory_space<vmem>>, vector<1024x2048xf32>,
    } else {
    }
    %eq3A_14 = arith.constant 3 : i32
    %eq3A_15 = arith.cmpi eq, %arg0, %eq3A_14 : i32
    %convert_element_type3A_16 = arith.extui %eq3A_15 : i1 to i32
    %cond3A_17 = arith.constant 0 : i32
    %cond3A_18 = arith.cmpi ne, %convert_element_type3A_16, %cond3A_17 : i32
    scf.if %cond3A_18 {
      %get3A_19 = arith.constant 0 : index
      %get3A_20 = arith.constant 0 : index
      %get3A_21 = vector.load %arg7[%get3A_19, %get3A_20] : memref<1024x2048xf32, #tpu.memory_space<vmem>>, vector<1024x2048xf32>
      %get3A_22 = arith.constant 0 : index
      %get3A_23 = arith.constant 0 : index
      %get3A_24 = vector.load %arg3[%get3A_22, %get3A_23] : memref<1x2048xf32, #tpu.memory_space<vmem>>, vector<1x2048xf32>
      %add3A = vector.broadcast %get3A_24 : vector<1x2048xf32> to vector<1024x2048xf32>
      %add3A_25 = arith.addf %get3A_21, %add3A : vector<1024x2048xf32>
      %mul3A = arith.constant 5.000000e-01 : f32
      %mul3A_26 = vector.broadcast %mul3A : f32 to vector<1024x2048xf32>
      %mul3A_27 = arith.mulf %mul3A_26, %add3A_25 : vector<1024x2048xf32>
      %mul3A_28 = arith.constant 0.707106769 : f32
      %mul3A_29 = vector.broadcast %mul3A_28 : f32 to vector<1024x2048xf32>
      %mul3A_30 = arith.mulf %add3A_25, %mul3A_29 : vector<1024x2048xf32>
      %erf3A = math.erf %mul3A_30 : vector<1024x2048xf32>
      %add3A_31 = arith.constant 1.000000e+00 : f32
      %add3A_32 = vector.broadcast %add3A_31 : f32 to vector<1024x2048xf32>
      %add3A_33 = arith.addf %add3A_32, %erf3A : vector<1024x2048xf32>
      %mul3A_34 = arith.mulf %mul3A_27, %add3A_33 : vector<1024x2048xf32>
      %get3A_35 = arith.constant 0 : index
      %get3A_36 = arith.constant 0 : index
      %get3A_37 = vector.load %arg8[%get3A_35, %get3A_36] : memref<8x2048xbf16, #tpu.memory_space<vmem>>, vector<8x2048xbf16>
      %convert_element_type3A_38 = arith.truncf %mul3A_34 : vector<1024x2048xf32> to vector<1024x2048xbf16>
      %dot_general3A_39 = arith.constant dense<0.000000e+00> : vector<8x1024xf32>
      %dot_general3A_40 = tpu.matmul %get3A_37, %convert_element_type3A_38, %dot_general3A_39 {dimension_numbers = #tpu.dot_dimension_numbers<[1], [1], [0], [0], [0, 0, 1, 0], [], []>, transpose_lhs_hint = false} : vector<8x2048xbf16>, vector<1024x2048xbf16>, vector<8x1024xf32> -> vector<8x1024xf32>
      %get3A_41 = arith.constant 0 : index
      %get3A_42 = arith.constant 0 : index
      %get3A_43 = vector.load %arg5[%get3A_41, %get3A_42] : memref<8x1xf32, #tpu.memory_space<vmem>>, vector<8x1xf32>
      %add3A_44 = vector.broadcast %get3A_43 : vector<8x1xf32> to vector<8x1024xf32>
      %add3A_45 = arith.addf %dot_general3A_40, %add3A_44 : vector<8x1024xf32>
      %swap3A = arith.constant 0 : index
      %swap3A_46 = arith.constant 0 : index
      %swap3A_47 = vector.load %arg6[%swap3A, %swap3A_46] : memref<8x1024xf32, #tpu.memory_space<vmem>>, vector<8x1024xf32>
      tpu.vector_store %arg6[%swap3A, %swap3A_46], %add3A_45 {strides = array<i32>} : memref<8x1024xf32, #tpu.memory_space<vmem>>, vector<8x1024xf32>,
    } else {
    }
    return
  }
  func.func @transform_0(%arg0: i32) -> (i32, i32) {
    %c0_i32 = arith.constant 0 : i32
    %c0_i32_0 = arith.constant 0 : i32
    return %c0_i32, %arg0 : i32, i32
  }
  func.func @transform_1(%arg0: i32) -> (i32, i32) {
    %c0_i32 = arith.constant 0 : i32
    %c0_i32_0 = arith.constant 0 : i32
    return %arg0, %c0_i32 : i32, i32
  }
  func.func @transform_2(%arg0: i32) -> (i32, i32) {
    %c0_i32 = arith.constant 0 : i32
    %c0_i32_0 = arith.constant 0 : i32
    %c0_i32_1 = arith.constant 0 : i32
    return %c0_i32, %c0_i32_0 : i32, i32
  }
  func.func @transform_3(%arg0: i32) -> (i32, i32) {
    %c0_i32 = arith.constant 0 : i32
    %c0_i32_0 = arith.constant 0 : i32
    %c0_i32_1 = arith.constant 0 : i32
    return %c0_i32, %c0_i32_0 : i32, i32
  }
  func.func @transform_4(%arg0: i32) -> (i32, i32) {
    %c0_i32 = arith.constant 0 : i32
    %c0_i32_0 = arith.constant 0 : i32
    %c0_i32_1 = arith.constant 0 : i32
    return %c0_i32, %c0_i32_0 : i32, i32
  }
  func.func @transform_5(%arg0: i32) -> (i32, i32) {
    %c0_i32 = arith.constant 0 : i32
    %c0_i32_0 = arith.constant 0 : i32
    %c0_i32_1 = arith.constant 0 : i32
    return %c0_i32, %c0_i32_0 : i32, i32
  }
}

</mosaic_0001>

<sc_bundles>
// kernel: kernel.5.cloned.1.call-start
scs
__scs_entry_jumppad:
0x0: {  	(pc) =	sbr.rel $0x88, $3  }
0x1: {  	(tag) =	ssettag $0x0;
	lr =	simm.s32 $0x1  }
0x2: {  	[smem:$0x3F9A] =	sst lr;
	_ =	strace $0xD0000000  }
0x3: {  	_ = 	snop  }
0x4: {  	_ = 	snop  }
0x5: {  	_ = 	snop  }
0x6: {  	_ = 	snop  }
0x7: {  	_ = 	snop  }
__scs_overlays_trampoline_lowered:
0x8: {  	[smem:$0x3FA9] =	sst s0  }
0x9: {  	[smem:$0x3FAA] =	sst s1  }
0xa: {  	[smem:$0x3FAB] =	sst s2  }
0xb: {  	[smem:$0x3FAC] =	sst s3  }
0xc: {  	[smem:$0x3FAD] =	sst s4  }
0xd: {  	[smem:$0x3FAE] =	sst s5  }
0xe: {  	[smem:$0x3FAF] =	sst s6  }
0xf: {  	[smem:$0x3FB0] =	sst s7  }
0x10: {  	[smem:$0x3FB1] =	sst s8  }
0x11: {  	[smem:$0x3FB2] =	sst s9;
	s0 =	simm.s32 @!p0 $0x0  }
0x12: {  	s1 =	sld [smem:$0x3F98];
	s0 =	simm.s32 @p0 $0x1  }
0x13: {  	[smem:$0x3FB3] =	sst s0;
	s0 =	simm.s32 @!p1 $0x0  }
0x14: {  	s2 =	sld [smem:$0x3F97];
	s0 =	simm.s32 @p1 $0x1  }
0x15: {  	[smem:$0x3FB4] =	sst s0;
	s0 =	simm.s32 @!p2 $0x0  }
0x16: {  	s3 =	sld [smem:$0x3FDB];
	s0 =	simm.s32 @p2 $0x1  }
0x17: {  	s4 =	simm.s32 $0x1BF5;
	[smem:$0x3FB6] =	sst s0  }
0x18: {  	s0 =	sld [smem:$0x3F99];
	_ =	swait.ge [sflag:s4], $0x0  }
0x19: {  	s7 =	sld [smem:$0x3F9A]  }
0x1a: {  	s8 =	sadd.s32 $0xFFFFE003, lr  }
0x1b: {  	s9 =	sadd.s32 $0xFFFFFEF7, lr;
	s5 =	simm.s32 $0xFFFFFFFF;
	p2 =	slt.u32 s8, $0xFFFFF086  }
0x1c: {  	p1 =	slt.u32 s9, $0xF7A;
	s5 =	simm.s32 @!p2 $0x0  }
0x1d: {  	s5 =	simm.s32 @p1 $0x1;
	p0 =	seq.s32 s7, s2  }
0x1e: {  	s7 =	smul.u32 @!p0 $0xF7A, s2;
	p2 =	seq.s32 @!p0 s5, $0x0  }
0x1f: {  	s9 =	smul.u32 $0xF7A, s1;
	s8 =	simm.s32 @!p0 $0x1BF5;
	p2 =	por !p2, p0  }
0x20: {  	[sflag:s8] =	ssyncset.s32 @!p0 $0xFFFFF086;
	s6 =	sadd.s32 @!p0 s3, s7;
	s7 =	simm.s32 @!p0 $0x108  }
0x21: {  	s3 =	sadd.s32 s3, s9;
	s6 =	sadd.s32 @!p0 $0x88, s6;
	s7 =	simm.s32 @p2 $0x1082  }
0x22: {  	[simem:s7], [sflag:s8] =	dma.local @!p0 [hbm:s6], $0xF7A  }
0x23: {  	s9 =	sor.u32 $0xD0000000, s2;
	s6 =	simm.s32 $0x108;
	_ =	swait.ge @!p0 [sflag:s8], $0x0  }
0x24: {  	s3 =	sadd.s32 $0x88, s3;
	s6 =	simm.s32 @!p1 $0x1082;
	[sflag:s4] =	ssyncset.s32 $0xFFFFF086  }
0x25: {  	[simem:s6], [sflag:s4] =	dma.local [hbm:s3], $0xF7A  }
0x26: {  	[smem:$0x3F9A] =	sst s1;
	(tag) =	ssettag s2;
	_ =	strace s9  }
0x27: {  	s1 =	sld [smem:$0x3FAA]  }
0x28: {  	s2 =	sld [smem:$0x3FAB]  }
0x29: {  	s4 =	sld [smem:$0x3FAD]  }
0x2a: {  	p0 =	seq.s32 s5, $0x0;
	s5 =	sld [smem:$0x3FAE]  }
0x2b: {  	s6 =	sld [smem:$0x3FAF]  }
0x2c: {  	s7 =	sld [smem:$0x3FB0]  }
0x2d: {  	s3 =	simm.s32 $0x108;
	s8 =	sld [smem:$0x3FB1]  }
0x2e: {  	s3 =	simm.s32 @!p0 $0x1082;
	s9 =	sld [smem:$0x3FB2]  }
0x2f: {  	lr =	sadd.s32 s0, s3;
	s0 =	sld [smem:$0x3FA9]  }
0x30: {  	s3 =	sld [smem:$0x3FAC]  }
0x31: {  	[smem:$0x3FB5] =	sst s10  }
0x32: {  	s10 =	sld [smem:$0x3FB3];
	_ =	sdelay $0x3  }
0x33: {  	p0 =	seq.s32 s10, $0x1;
	s10 =	sld [smem:$0x3FB5];
	_ =	sdelay $0x3  }
0x34: {  	[smem:$0x3FB5] =	sst s10  }
0x35: {  	s10 =	sld [smem:$0x3FB4];
	_ =	sdelay $0x3  }
0x36: {  	p1 =	seq.s32 s10, $0x1;
	s10 =	sld [smem:$0x3FB5];
	_ =	sdelay $0x3  }
0x37: {  	[smem:$0x3FB5] =	sst s10  }
0x38: {  	s10 =	sld [smem:$0x3FB6]  }
0x39: {  	_ = 	snop;
	(pc) =	sbr.ind lr, $3  }
0x3a: {  	_ = 	snop  }
0x3b: {  	_ = 	snop  }
0x3c: {  	p2 =	seq.s32 s10, $0x1;
	s10 =	sld [smem:$0x3FB5]  }
0x3d: {  	_ =	shalt  }
0x3e: {  	_ =	shalt  }
0x3f: {  	_ =	shalt  }
0x40: {  	_ =	shalt  }
0x41: {  	_ =	shalt  }
0x42: {  	_ =	shalt  }
0x43: {  	_ =	shalt  }
0x44: {  	_ =	shalt  }
0x45: {  	_ =	shalt  }
0x46: {  	_ =	shalt  }
0x47: {  	_ =	shalt  }
0x48: {  	_ =	shalt  }
0x49: {  	_ =	shalt  }
0x4a: {  	_ =	shalt  }
0x4b: {  	_ =	shalt  }
0x4c: {  	_ =	shalt  }
0x4d: {  	_ =	shalt  }
0x4e: {  	_ =	shalt  }
0x4f: {  	_ =	shalt  }
0x50: {  	_ =	shalt  }
0x51: {  	_ =	shalt  }
0x52: {  	_ =	shalt  }
0x53: {  	_ =	shalt  }
0x54: {  	_ =	shalt  }
0x55: {  	_ =	shalt  }
0x56: {  	_ =	shalt  }
0x57: {  	_ =	shalt  }
0x58: {  	_ =	shalt  }
0x59: {  	_ =	shalt  }
0x5a: {  	_ =	shalt  }
0x5b: {  	_ =	shalt  }
0x5c: {  	_ =	shalt  }
0x5d: {  	_ =	shalt  }
0x5e: {  	_ =	shalt  }
0x5f: {  	_ =	shalt  }
0x60: {  	_ =	shalt  }
0x61: {  	_ =	shalt  }
0x62: {  	_ =	shalt  }
0x63: {  	_ =	shalt  }
0x64: {  	_ =	shalt  }
0x65: {  	_ =	shalt  }
0x66: {  	_ =	shalt  }
0x67: {  	_ =	shalt  }
0x68: {  	_ =	shalt  }
0x69: {  	_ =	shalt  }
0x6a: {  	_ =	shalt  }
0x6b: {  	_ =	shalt  }
0x6c: {  	_ =	shalt  }
0x6d: {  	_ =	shalt  }
0x6e: {  	_ =	shalt  }
0x6f: {  	_ =	shalt  }
0x70: {  	_ =	shalt  }
0x71: {  	_ =	shalt  }
0x72: {  	_ =	shalt  }
0x73: {  	_ =	shalt  }
0x74: {  	_ =	shalt  }
0x75: {  	_ =	shalt  }
0x76: {  	_ =	shalt  }
0x77: {  	_ =	shalt  }
0x78: {  	_ =	shalt  }
0x79: {  	_ =	shalt  }
0x7a: {  	_ =	shalt  }
0x7b: {  	_ =	shalt  }
0x7c: {  	_ =	shalt  }
0x7d: {  	_ =	shalt  }
0x7e: {  	_ =	shalt  }
0x7f: {  	_ =	shalt  }
0x80: {  	_ =	shalt  }
0x81: {  	_ =	shalt  }
0x82: {  	_ =	shalt  }
0x83: {  	_ =	shalt  }
0x84: {  	_ =	shalt  }
0x85: {  	_ =	shalt  }
0x86: {  	_ =	shalt  }
0x87: {  	_ =	shalt  }
.Lfunc_end0:
.L_simem_size_0:
called_computation_lowered:
.L_overlay_start_0:
0x88: {  	s2 =	sld [smem:$0x3FD9]  }
0x89: {  	s3 =	sld [smem:$0x3FFE];
	_ =	sdelay $0x1  }
0x8a: {  	s1 =	srdreg.scid  }
0x8b: {  	s0 =	sand.u32 $0x1, s1  }
0x8c: {  	s14 =	sshll.u32 s0, $0xA;
	s2 =	sadd.s32 s3, s2  }
0x8d: {  	s2 =	sadd.s32 s2, s14  }
0x8e: {  	[smem:$0x3FC1] =	sst s2  }
0x8f: {  	_ = 	snop  }
0x90: {  	s2 =	sld [smem:$0x3FD0];
	_ =	sdelay $0x1  }
0x91: {  	s15 =	sld [smem:$0x3FC9]  }
0x92: {  	s5 =	simm.s32 $0xA;
	s6 =	simm.s32 $0x10;
	s4 =	sld [smem:$0x3FC8]  }
0x93: {  	[smem:s6], [sflag:s5] =	dma.local [hbm:s2], $0x1  }
0x94: {  	_ =	swait.eq [sflag:s5], $0x1  }
0x95: {  	[sflag:s5] =	ssyncset.done $0x0  }
0x96: {  	s16 =	sld [smem:$0x12];
	[sflag:s5] =	ssyncadd.s32 $0xFFFFFFFF  }
0x97: {  	s17 =	sld [smem:$0x13];
	(tm) =	ssettm $0x1  }
0x98: {  	s18 =	sld [smem:$0x3FFB];
	_ =	sdelay $0x3  }
0x99: {  	_ =	strace s18  }
0x9a: {  	s6 =	sld [smem:$0x3FFC];
	_ =	sdelay $0x3  }
0x9b: {  	_ =	strace s6  }
0x9c: {  	s6 =	sld [smem:$0x3FFD];
	_ =	sdelay $0x3  }
0x9d: {  	_ =	strace s6  }
0x9e: {  	_ =	strace $0x8FFFFFFF  }
0x9f: {  	s19 =	sld [smem:$0x3FDB];
	_ =	sdelay $0x1  }
0xa0: {  	s7 =	simm.s32 $_scs_section_size  }
0xa1: {  	s8 =	simm.s32 $_size__tile_overlayer_lowered;
	s9 =	simm.s32 $_tile_overlayer_lowered  }
0xa2: {  	s22 =	simm.s32 $0x1BFF;
	s21 =	sshll.u32 s9, $0x1;
	s6 =	sadd.s32 s7, s19  }
0xa3: {  	s10 =	simm.s32 $0x0;
	s20 =	sshll.u32 s8, $0x1;
	s8 =	sadd.s32 s21, s6  }
0xa4: {  	[timem:s10], [sflag:s22] =	dma.local [hbm:s8], s20  }
0xa5: {  	_ =	swait.ge [sflag:s22], s20  }
0xa6: {  	s7 =	ssub.s32 $0x0, s20;
	[sflag:s22] =	ssyncset.done $0x0  }
0xa7: {  	[sflag:s22] =	ssyncadd.s32 s7;
	_ =	sdelay $0x1  }
0xa8: {  	s23 =	simm.s32 $0x1B8B  }
0xa9: {  	_ =	swait.ge [sflag:s23], $0x1  }
0xaa: {  	[sflag:s23] =	ssyncset.done $0x0  }
0xab: {  	s25 =	simm.s32 $0x1B8E;
	s24 =	sld [smem:$0x3FFE];
	[sflag:s23] =	ssyncadd.s32 $0xFFFFFFFF  }
0xac: {  	s26 =	simm.s32 $execute0_lowered;
	[smem:$0x3FD2] =	sst s25  }
0xad: {  	s8 =	sshll.u32 s26, $0x1;
	_ =	strace $0x80000046;
	[dreg:$0x1] =	wrdreg $0xFFFFFFFF  }
0xae: {  	s28 =	simm.s32 $_size_execute0_lowered;
	s6 =	sadd.s32 s6, s8;
	[dreg:$0x0] =	wrdreg $0x0  }
0xaf: {  	s8 =	sshll.u32 s28, $0x1;
	[dreg:$0x2] =	wrdreg s6  }
0xb0: {  	[dreg:$0x3] =	wrdreg s8  }
0xb1: {  	[dreg:$0x4] =	wrdreg $0xC0  }
0xb2: {  	_ =	task [dreg:s10], $0x5FFFF  }
0xb3: {  	[dreg:$0x1] =	wrdreg $0xFFFFFFFF  }
0xb4: {  	[dreg:$0x0] =	wrdreg $0x60  }
0xb5: {  	[dreg:$0x2] =	wrdreg s24  }
0xb6: {  	[dreg:$0x3] =	wrdreg s15  }
0xb7: {  	[dreg:$0x4] =	wrdreg s4  }
0xb8: {  	[dreg:$0x5] =	wrdreg s17  }
0xb9: {  	[dreg:$0x6] =	wrdreg s16  }
0xba: {  	[dreg:$0x7] =	wrdreg $0x9  }
0xbb: {  	_ =	task.clear_ibuf [dreg:s10], $0x8FFFF;
	_ =	strace $0x90000046  }
0xbc: {  	s29 =	simm.s32 $0x9;
	_ =	strace $0x80000048  }
0xbd: {  	_ =	swait.ge [sflag:s29], $0x1  }
0xbe: {  	[sflag:s29] =	ssyncadd.s32 $0xFFFFFFFF  }
0xbf: {  	_ =	strace $0x90000048  }
0xc0: {  	_ =	sfence  }
0xc1: {  	s30 =	sld [smem:$0x0];
	_ =	sdelay $0x2  }
0xc2: {  	s31 =	sshll.u32 s1, $0xD;
	s1 =	sshrl.u32 s1, $0x2  }
0xc3: {  	s3 =	sand.u32 $0x4000, s31;
	s1 =	sadd.s32 s1, s30  }
0xc4: {  	s0 =	sor.u32 s3, s0;
	s1 =	sshll.u32 s1, $0x11  }
0xc5: {  	s0 =	sor.u32 s1, s0  }
0xc6: {  	s0 =	sadd.s32 $0x8F2B, s0  }
0xc7: {  	[sflag:s0] =	ssyncadd.remote.s32 $0x1  }
0xc8: {  	_ =	sfence.sel $0xFFFF  }
0xc9: {  	[dreg:$0x0] =	wrdreg $0xFFFFFFFF;
	(pc) =	sbr.abs _section_cstart, $3  }
0xca: {  	[dreg:$0x1] =	wrdreg $0xFFFFFFFF  }
0xcb: {  	_ =	task.clear_ibuf [dreg:s10], $0x2FFFF;
	_ =	strace $0x9FFFFFFF  }
0xcc: {  	(tm) =	ssettm $0x7FFFFFFF  }
0xcd: {  	_ =	shalt  }
tec
execute0_lowered:
.L_overlay_start_1:
0x0: {  	(tag) =	ssettag $0x1  }
0x1: {  	s0 =	rddreg [dreg:$0x0]  }
0x2: {  	s2 =	rddreg [dreg:$0x1]  }
0x3: {  	s1 =	rddreg [dreg:$0x2]  }
0x4: {  	s3 =	srdreg.scid;
	s4 =	rddreg [dreg:$0x3]  }
0x5: {  	s6 =	stileid.u32;
	s12 =	rddreg [dreg:$0x4];
	s30 =	simm.s32 $0xC080  }
0x6: {  	s31 =	simm.s32 $0x3;
	s5 =	sand.u32 $0x1, s3;
	s16 =	sshll.u32 s6, $0x6  }
0x7: {  	s3 =	simm.s32 $0x0;
	s7 =	sadd.s32 $0x300, s1;
	s8 =	sadd.s32 $0x400, s1  }
0x8: {  	s9 =	sadd.s32 $0x500, s1;
	s11 =	sadd.s32 $0x700, s1;
	s17 =	sshll.u32 s5, $0x5  }
0x9: {  	s5 =	ssub.s32 $0x2, s5;
	[smem:$0x7FF] =	sst s3;
	s10 =	sor.u32 s17, s16  }
0xa: {  	s18 =	sshrl.u32 s5, $0x1;
	_ =	strace $0x80000047;
	s19 =	sshll.u32 s10, $0x8  }
0xb: {  	s6 =	sshrl.u32 s10, $0x3;
	s13 =	ssub.s32 s5, s18;
	s15 =	sadd.s32 s2, s19  }
0xc: {  	s5 =	sadd.s32 $0x100, s1;
	s16 =	sadd.s32 s12, s19;
	[dreg:$0x7] =	wrdreg s15  }
0xd: {  	s10 =	sadd.s32 $0x600, s1;
	s22 =	sadd.s32 s4, s19;
	[dreg:$0x9] =	wrdreg s16  }
0xe: {  	s0 =	sadd.s32 s6, s0;
	s29 =	smax.u32 s13, $0x1;
	[dreg:$0xa] =	wrdreg s22  }
0xf: {  	s14 =	sor.u32 $0x800, s19;
	s0 =	sadd.s32 $0x2000, s0;
	[dreg:$0x13] =	wrdreg s29  }
0x10: {  	s21 =	sor.u32 $0x1000, s19;
	s20 =	sadd.s32 s2, s14;
	[dreg:$0x6] =	wrdreg s0  }
0x11: {  	s18 =	simm.s32 $0x1;
	s23 =	sadd.s32 s2, s21;
	[dreg:$0x8] =	wrdreg s20  }
0x12: {  	s6 =	sadd.s32 $0x200, s1;
	s24 =	sadd.s32 s12, s14;
	[dreg:$0xb] =	wrdreg s23  }
0x13: {  	s13 =	simm.s32 $0x6;
	s14 =	sadd.s32 s4, s14;
	[dreg:$0xc] =	wrdreg s24  }
0x14: {  	s25 =	sadd.s32 s12, s21;
	s26 =	sadd.s32 s4, s21;
	[dreg:$0xd] =	wrdreg s14  }
0x15: {  	s21 =	simm.s32 $0x8;
	s22 =	simm.s32 $0x5;
	[dreg:$0xf] =	wrdreg s25  }
0x16: {  	s0 =	sor.u32 $0x1800, s19;
	[dreg:$0x10] =	wrdreg s26;
	s25 =	simm.s32 $0x9  }
0x17: {  	s19 =	simm.s32 $0x7;
	s20 =	simm.s32 $0x4;
	s2 =	sadd.s32 s2, s0  }
0x18: {  	v0 =	vlaneseq.u32;
	s23 =	simm.s32 $0x0;
	s28 =	sadd.s32 s12, s0;
	[dreg:$0xe] =	wrdreg s2  }
0x19: {  	v1 =	vshrl.u32 v0, $0x3;
	s0 =	sadd.s32 s4, s0;
	s12 =	simm.s32 $0x8080;
	[dreg:$0x11] =	wrdreg s28  }
0x1a: {  	vm0 =	vmmov $0xffff;
	v0 =	vand.u32 $0x7, v0;
	v1 =	vmul.u32 $0x8, v1;
	s4 =	simm.s32 $0x14080;
	[dreg:$0x12] =	wrdreg s0;
	s0 =	simm.s32 $0x2  }
.LBB2_1:
0x1b: {  	s2 =	rddreg [dreg:$0x6]  }
0x1c: {  	[tilespmem:s3], [sflag:$0x9] =	stream.linear.gather [hbm4b:s2+s3], $0x20, $0x38;
	[tilespmem:$0x18080] =	vst v63  }
0x1d: {  	_ =	swait.ge [sflag:s25], $0x20  }
0x1e: {  	[sflag:s25] =	ssyncset.done $0x0  }
0x1f: {  	[sflag:s25] =	ssyncadd.s32 $0xFFFFFFE0  }
0x20: {  	v2 =	vld.msk [tilespmem:$0x0], $0xff;
	_ =	sdelay $0x4  }
0x21: {  	v3 =	vshll.u32 v2, $0x4  }
0x22: {  	v2 =	vand.u32 $0x7, v2;
	v3 =	vand.u32 $0xFFFFFF80, v3  }
0x23: {  	v2 =	vor.u32 v2, v3  }
0x24: {  	v2 =	vperm.xlane v2, v0;
	_ =	sdelay $0x1  }
0x25: {  	v2 =	vadd.s32 v1, v2;
	_ =	sdelay $0x3  }
0x26: {  	s15 =	simm.s32 $0x80  }
0x27: {  	[tilespmem:s15], [sflag:$0x1] =	stream.indirect_vreg.gather [hbm4b:s1+s3], $0x80, v2, vm0, $0xb8;
	[tilespmem:$0x18080] =	vst v63  }
0x28: {  	s16 =	simm.s32 $0x880  }
0x29: {  	[tilespmem:s16], [sflag:$0x1] =	stream.indirect_vreg.gather [hbm4b:s5+s3], $0x80, v2, vm0, $0xb8;
	[tilespmem:$0x18080] =	vst v63  }
0x2a: {  	s17 =	simm.s32 $0x1080  }
0x2b: {  	[tilespmem:s17], [sflag:$0x1] =	stream.indirect_vreg.gather [hbm4b:s6+s3], $0x80, v2, vm0, $0xb8;
	[tilespmem:$0x18080] =	vst v63  }
0x2c: {  	s24 =	simm.s32 $0x1880  }
0x2d: {  	[tilespmem:s24], [sflag:$0x1] =	stream.indirect_vreg.gather [hbm4b:s7+s3], $0x80, v2, vm0, $0xb8;
	[tilespmem:$0x18080] =	vst v63  }
0x2e: {  	s26 =	simm.s32 $0x2080  }
0x2f: {  	[tilespmem:s26], [sflag:$0x1] =	stream.indirect_vreg.gather [hbm4b:s8+s3], $0x80, v2, vm0, $0xb8;
	[tilespmem:$0x18080] =	vst v63  }
0x30: {  	s29 =	simm.s32 $0x2880  }
0x31: {  	[tilespmem:s29], [sflag:$0x1] =	stream.indirect_vreg.gather [hbm4b:s9+s3], $0x80, v2, vm0, $0xb8;
	[tilespmem:$0x18080] =	vst v63  }
0x32: {  	s14 =	simm.s32 $0x3080  }
0x33: {  	[tilespmem:s14], [sflag:$0x1] =	stream.indirect_vreg.gather [hbm4b:s10+s3], $0x80, v2, vm0, $0xb8;
	[tilespmem:$0x18080] =	vst v63  }
0x34: {  	s15 =	simm.s32 $0x3880  }
0x35: {  	[tilespmem:s15], [sflag:$0x1] =	stream.indirect_vreg.gather [hbm4b:s11+s3], $0x80, v2, vm0, $0xb8;
	[tilespmem:$0x18080] =	vst v63  }
0x36: {  	s16 =	rddreg [dreg:$0x7]  }
0x37: {  	[tilespmem:s12], [sflag:$0x3] =	stream.linear.gather [hbm4b:s16+s3], $0x4000, $0x38;
	[tilespmem:$0x18080] =	vst v63  }
0x38: {  	v2 =	vld.msk [tilespmem:$0x8], $0xff;
	_ =	sdelay $0x4  }
0x39: {  	v3 =	vshll.u32 v2, $0x4  }
0x3a: {  	v2 =	vand.u32 $0x7, v2;
	v3 =	vand.u32 $0xFFFFFF80, v3  }
0x3b: {  	v2 =	vor.u32 v2, v3  }
0x3c: {  	v2 =	vperm.xlane v2, v0;
	_ =	sdelay $0x1  }
0x3d: {  	v2 =	vadd.s32 v1, v2;
	_ =	sdelay $0x3  }
0x3e: {  	s17 =	simm.s32 $0x4080  }
0x3f: {  	[tilespmem:s17], [sflag:$0x2] =	stream.indirect_vreg.gather [hbm4b:s1+s3], $0x80, v2, vm0, $0xb8;
	[tilespmem:$0x18080] =	vst v63  }
0x40: {  	s24 =	simm.s32 $0x4880  }
0x41: {  	[tilespmem:s24], [sflag:$0x2] =	stream.indirect_vreg.gather [hbm4b:s5+s3], $0x80, v2, vm0, $0xb8;
	[tilespmem:$0x18080] =	vst v63  }
0x42: {  	s26 =	simm.s32 $0x5080  }
0x43: {  	[tilespmem:s26], [sflag:$0x2] =	stream.indirect_vreg.gather [hbm4b:s6+s3], $0x80, v2, vm0, $0xb8;
	[tilespmem:$0x18080] =	vst v63  }
0x44: {  	s29 =	simm.s32 $0x5880  }
0x45: {  	[tilespmem:s29], [sflag:$0x2] =	stream.indirect_vreg.gather [hbm4b:s7+s3], $0x80, v2, vm0, $0xb8;
	[tilespmem:$0x18080] =	vst v63  }
0x46: {  	s14 =	simm.s32 $0x6080  }
0x47: {  	[tilespmem:s14], [sflag:$0x2] =	stream.indirect_vreg.gather [hbm4b:s8+s3], $0x80, v2, vm0, $0xb8;
	[tilespmem:$0x18080] =	vst v63  }
0x48: {  	s15 =	simm.s32 $0x6880  }
0x49: {  	[tilespmem:s15], [sflag:$0x2] =	stream.indirect_vreg.gather [hbm4b:s9+s3], $0x80, v2, vm0, $0xb8;
	[tilespmem:$0x18080] =	vst v63  }
0x4a: {  	s16 =	simm.s32 $0x7080  }
0x4b: {  	[tilespmem:s16], [sflag:$0x2] =	stream.indirect_vreg.gather [hbm4b:s10+s3], $0x80, v2, vm0, $0xb8;
	[tilespmem:$0x18080] =	vst v63  }
0x4c: {  	s17 =	simm.s32 $0x7880  }
0x4d: {  	[tilespmem:s17], [sflag:$0x2] =	stream.indirect_vreg.gather [hbm4b:s11+s3], $0x80, v2, vm0, $0xb8;
	[tilespmem:$0x18080] =	vst v63  }
0x4e: {  	s24 =	rddreg [dreg:$0x8]  }
0x4f: {  	[tilespmem:s30], [sflag:$0x4] =	stream.linear.gather [hbm4b:s24+s3], $0x4000, $0x38;
	[tilespmem:$0x18080] =	vst v63  }
0x50: {  	_ =	swait.ge [sflag:s18], $0x4000  }
0x51: {  	[sflag:s18] =	ssyncset.done $0x0  }
0x52: {  	[sflag:s18] =	ssyncadd.s32 $0xFFFFC000  }
0x53: {  	_ =	swait.ge [sflag:s31], $0x4000  }
0x54: {  	s14 =	sand.u32 $0x70, s3;
	s15 =	sand.u32 $0x3C00, s3;
	[sflag:s31] =	ssyncset.done $0x0  }
0x55: {  	s14 =	sor.u32 s14, s15;
	s26 =	rddreg [dreg:$0x9];
	[sflag:s31] =	ssyncadd.s32 $0xFFFFC000  }
0x56: {  	[hbm4b:s26+s3] =	stream.linear.scatter [tilespmem:s12], [sflag:$0x7], $0x4000, $0x38;
	[tilespmem:$0x18080] =	vst v63  }
0x57: {  	v7 =	vld [tilespmem:s14+$0x8200]  }
0x58: {  	v8 =	vld [tilespmem:s14+$0x8180]  }
0x59: {  	v4 =	vld [tilespmem:s14+$0x180]  }
0x5a: {  	v10 =	vld [tilespmem:s14+$0x8280]  }
0x5b: {  	v2 =	vld [tilespmem:s14+$0x200]  }
0x5c: {  	v11 =	vld [tilespmem:s14+$0x8100]  }
0x5d: {  	v3 =	vld [tilespmem:s14+$0x80]  }
0x5e: {  	v9 =	vld [tilespmem:s14+$0x100]  }
0x5f: {  	s29 =	sand.u32 $0x7, s3;
	v6 =	vld [tilespmem:s14+$0x280]  }
0x60: {  	s28 =	simm.s32 $0x0;
	s15 =	sshll.u32 s29, $0x4;
	v5 =	vld [tilespmem:s14+$0x380]  }
0x61: {  	s24 =	sadd.s32 $0x0, s15;
	s15 =	simm.s32 $0x0;
	s26 =	simm.s32 $0x10;
	v12 =	vld [tilespmem:s14+$0x8080];
	v7 =	vsub.f32 v7, v2  }
.LBB2_2:
0x62: {  	p0 =	sne.s32 s26, $0x7F0;
	v13 =	vld [tilespmem:s14+$0x8380];
	s15 =	sadd.s32 $0x80, s15;
	s28 =	sadd.s32 $0x1, s28  }
0x63: {  	s29 =	smov.u32 s26;
	s26 =	sadd.s32 $0x10, s26;
	s16 =	sand.u32 $0x7, s28;
	v11 =	vsub.f32 v11, v9;
	v14 =	vld [tilespmem:s14+$0x8300]  }
0x64: {  	v8 =	vsub.f32 v8, v4;
	s16 =	sshll.u32 s16, $0x4;
	v10 =	vsub.f32 v10, v6;
	v15 =	vld [tilespmem:s14+$0x300]  }
0x65: {  	s16 =	sadd.s32 s16, s15;
	v11 =	vmul.f32 $9.999999740e-06, v11  }
0x66: {  	v8 =	vmul.f32 $9.999999740e-06, v8;
	v12 =	vsub.f32 v12, v3;
	v10 =	vmul.f32 $9.999999740e-06, v10  }
0x67: {  	v9 =	vadd.f32 v11, v9;
	v11 =	vsub.f32 v13, v5  }
0x68: {  	v4 =	vadd.f32 v8, v4;
	v12 =	vmul.f32 $9.999999740e-06, v12;
	v6 =	vadd.f32 v10, v6  }
0x69: {  	v7 =	vmul.f32 $9.999999740e-06, v7;
	[tilespmem:s14+$0x10100] =	vst v9;
	v8 =	vsub.f32 v14, v15;
	v9 =	vmul.f32 $9.999999740e-06, v11  }
0x6a: {  	v3 =	vadd.f32 v12, v3;
	[tilespmem:s14+$0x10280] =	vst v6  }
0x6b: {  	v2 =	vadd.f32 v7, v2;
	[tilespmem:s14+$0x10180] =	vst v4;
	v4 =	vmul.f32 $9.999999740e-06, v8;
	v5 =	vadd.f32 v9, v5  }
0x6c: {  	[tilespmem:s14+$0x10080] =	vst v3  }
0x6d: {  	[tilespmem:s14+$0x10200] =	vst v2;
	v2 =	vadd.f32 v4, v15  }
0x6e: {  	[tilespmem:s14+$0x10380] =	vst v5  }
0x6f: {  	s2 =	sor.u32 $0x380, s24;
	s29 =	sand.u32 $0x70, s29;
	s17 =	sand.u32 $0x3C00, s15;
	[tilespmem:s14+$0x10300] =	vst v2  }
0x70: {  	s24 =	smov.u32 s16;
	s14 =	sor.u32 s29, s17;
	v2 =	vld [tilespmem:s2+$0x80]  }
0x71: {  	v3 =	vld [tilespmem:s2+$0x8080];
	_ =	sdelay $0x4  }
0x72: {  	v3 =	vsub.f32 v3, v2;
	_ =	sdelay $0x1  }
0x73: {  	v3 =	vmul.f32 $9.999999740e-06, v3;
	_ =	sdelay $0x1  }
0x74: {  	v2 =	vadd.f32 v3, v2;
	_ =	sdelay $0x1  }
0x75: {  	[tilespmem:s2+$0x10080] =	vst v2  }
0x76: {  	v5 =	vld [tilespmem:s14+$0x8200]  }
0x77: {  	v8 =	vld [tilespmem:s14+$0x8180]  }
0x78: {  	v4 =	vld [tilespmem:s14+$0x180]  }
0x79: {  	v10 =	vld [tilespmem:s14+$0x8280]  }
0x7a: {  	v2 =	vld [tilespmem:s14+$0x200]  }
0x7b: {  	v11 =	vld [tilespmem:s14+$0x8100]  }
.Ltmp0:
0x7c: {  	v3 =	vld [tilespmem:s14+$0x80];
	(pc) =	sbr.rel @p0 .LBB2_2-.Ltmp0, $4  }
0x7d: {  	v9 =	vld [tilespmem:s14+$0x100]  }
0x7e: {  	v6 =	vld [tilespmem:s14+$0x280]  }
0x7f: {  	v7 =	vsub.f32 v5, v2;
	v5 =	vld [tilespmem:s14+$0x380]  }
0x80: {  	v12 =	vld [tilespmem:s14+$0x8080]  }
0x81: {  	v13 =	vld [tilespmem:s14+$0x8380]  }
0x82: {  	v14 =	vld [tilespmem:s14+$0x8300]  }
0x83: {  	v15 =	vld [tilespmem:s14+$0x300];
	v11 =	vsub.f32 v11, v9  }
0x84: {  	v8 =	vsub.f32 v8, v4;
	v7 =	vmul.f32 $9.999999740e-06, v7  }
0x85: {  	v10 =	vsub.f32 v10, v6;
	v11 =	vmul.f32 $9.999999740e-06, v11  }
0x86: {  	v8 =	vmul.f32 $9.999999740e-06, v8;
	v2 =	vadd.f32 v7, v2;
	v12 =	vsub.f32 v12, v3  }
0x87: {  	v10 =	vmul.f32 $9.999999740e-06, v10;
	v9 =	vadd.f32 v11, v9;
	v11 =	vsub.f32 v13, v5  }
0x88: {  	v4 =	vadd.f32 v8, v4;
	[tilespmem:s14+$0x10200] =	vst v2;
	v8 =	vsub.f32 v14, v15;
	v12 =	vmul.f32 $9.999999740e-06, v12  }
0x89: {  	v6 =	vadd.f32 v10, v6;
	[tilespmem:s14+$0x10100] =	vst v9;
	v9 =	vmul.f32 $9.999999740e-06, v11  }
0x8a: {  	[tilespmem:s14+$0x10180] =	vst v4;
	v4 =	vmul.f32 $9.999999740e-06, v8;
	v3 =	vadd.f32 v12, v3  }
0x8b: {  	[tilespmem:s14+$0x10280] =	vst v6;
	v5 =	vadd.f32 v9, v5  }
0x8c: {  	v2 =	vadd.f32 v4, v15;
	[tilespmem:s14+$0x10080] =	vst v3  }
0x8d: {  	[tilespmem:s14+$0x10380] =	vst v5  }
0x8e: {  	s2 =	sor.u32 $0x380, s24;
	[tilespmem:s14+$0x10300] =	vst v2  }
0x8f: {  	v2 =	vld [tilespmem:s2+$0x80]  }
0x90: {  	v3 =	vld [tilespmem:s2+$0x8080];
	_ =	sdelay $0x4  }
0x91: {  	v3 =	vsub.f32 v3, v2;
	_ =	sdelay $0x1  }
0x92: {  	v3 =	vmul.f32 $9.999999740e-06, v3;
	_ =	sdelay $0x1  }
0x93: {  	v2 =	vadd.f32 v3, v2;
	_ =	sdelay $0x1  }
0x94: {  	s26 =	rddreg [dreg:$0xa];
	s15 =	simm.s32 $0x10080;
	s14 =	simm.s32 $0x0;
	[tilespmem:s2+$0x10080] =	vst v2  }
0x95: {  	[hbm4b:s26+s14] =	stream.linear.scatter [tilespmem:s15], [sflag:$0x5], $0x4000, $0x38;
	[tilespmem:$0x18080] =	vst v63  }
0x96: {  	_ =	swait.ge [sflag:s19], $0x4000  }
0x97: {  	[sflag:s19] =	ssyncset.done $0x0  }
0x98: {  	[sflag:s19] =	ssyncadd.s32 $0xFFFFC000  }
0x99: {  	v2 =	vld.msk [tilespmem:$0x10], $0xff;
	_ =	sdelay $0x4  }
0x9a: {  	v3 =	vshll.u32 v2, $0x4  }
0x9b: {  	v2 =	vand.u32 $0x7, v2;
	v3 =	vand.u32 $0xFFFFFF80, v3  }
0x9c: {  	v2 =	vor.u32 v2, v3  }
0x9d: {  	v2 =	vperm.xlane v2, v0;
	_ =	sdelay $0x1  }
0x9e: {  	v2 =	vadd.s32 v1, v2;
	_ =	sdelay $0x3  }
0x9f: {  	s29 =	simm.s32 $0x80  }
0xa0: {  	[tilespmem:s29], [sflag:$0x1] =	stream.indirect_vreg.gather [hbm4b:s1+s14], $0x80, v2, vm0, $0xb8;
	[tilespmem:$0x18080] =	vst v63  }
0xa1: {  	s15 =	simm.s32 $0x880  }
0xa2: {  	[tilespmem:s15], [sflag:$0x1] =	stream.indirect_vreg.gather [hbm4b:s5+s14], $0x80, v2, vm0, $0xb8;
	[tilespmem:$0x18080] =	vst v63  }
0xa3: {  	s16 =	simm.s32 $0x1080  }
0xa4: {  	[tilespmem:s16], [sflag:$0x1] =	stream.indirect_vreg.gather [hbm4b:s6+s14], $0x80, v2, vm0, $0xb8;
	[tilespmem:$0x18080] =	vst v63  }
0xa5: {  	s17 =	simm.s32 $0x1880  }
0xa6: {  	[tilespmem:s17], [sflag:$0x1] =	stream.indirect_vreg.gather [hbm4b:s7+s14], $0x80, v2, vm0, $0xb8;
	[tilespmem:$0x18080] =	vst v63  }
0xa7: {  	s24 =	simm.s32 $0x2080  }
0xa8: {  	[tilespmem:s24], [sflag:$0x1] =	stream.indirect_vreg.gather [hbm4b:s8+s14], $0x80, v2, vm0, $0xb8;
	[tilespmem:$0x18080] =	vst v63  }
0xa9: {  	s26 =	simm.s32 $0x2880  }
0xaa: {  	[tilespmem:s26], [sflag:$0x1] =	stream.indirect_vreg.gather [hbm4b:s9+s14], $0x80, v2, vm0, $0xb8;
	[tilespmem:$0x18080] =	vst v63  }
0xab: {  	s29 =	simm.s32 $0x3080  }
0xac: {  	[tilespmem:s29], [sflag:$0x1] =	stream.indirect_vreg.gather [hbm4b:s10+s14], $0x80, v2, vm0, $0xb8;
	[tilespmem:$0x18080] =	vst v63  }
0xad: {  	s15 =	simm.s32 $0x3880  }
0xae: {  	[tilespmem:s15], [sflag:$0x1] =	stream.indirect_vreg.gather [hbm4b:s11+s14], $0x80, v2, vm0, $0xb8;
	[tilespmem:$0x18080] =	vst v63  }
0xaf: {  	s16 =	rddreg [dreg:$0xb]  }
0xb0: {  	[tilespmem:s12], [sflag:$0x3] =	stream.linear.gather [hbm4b:s16+s14], $0x4000, $0x38;
	[tilespmem:$0x18080] =	vst v63  }
0xb1: {  	_ =	swait.ge [sflag:s0], $0x4000  }
0xb2: {  	[sflag:s0] =	ssyncset.done $0x0  }
0xb3: {  	[sflag:s0] =	ssyncadd.s32 $0xFFFFC000  }
0xb4: {  	_ =	swait.ge [sflag:s20], $0x4000  }
0xb5: {  	s24 =	sand.u32 $0x70, s14;
	s26 =	sand.u32 $0x3C00, s14;
	[sflag:s20] =	ssyncset.done $0x0  }
0xb6: {  	s24 =	sor.u32 s24, s26;
	s17 =	rddreg [dreg:$0xc];
	[sflag:s20] =	ssyncadd.s32 $0xFFFFC000  }
0xb7: {  	[hbm4b:s17+s14] =	stream.linear.scatter [tilespmem:s30], [sflag:$0x8], $0x4000, $0x38;
	[tilespmem:$0x18080] =	vst v63  }
0xb8: {  	v7 =	vld [tilespmem:s24+$0xC200]  }
0xb9: {  	v8 =	vld [tilespmem:s24+$0xC180]  }
0xba: {  	v4 =	vld [tilespmem:s24+$0x4180]  }
0xbb: {  	v10 =	vld [tilespmem:s24+$0xC280]  }
0xbc: {  	v2 =	vld [tilespmem:s24+$0x4200]  }
0xbd: {  	v11 =	vld [tilespmem:s24+$0xC100]  }
0xbe: {  	v3 =	vld [tilespmem:s24+$0x4080]  }
0xbf: {  	v9 =	vld [tilespmem:s24+$0x4100]  }
0xc0: {  	s29 =	sand.u32 $0x7, s14;
	v6 =	vld [tilespmem:s24+$0x4280]  }
0xc1: {  	s2 =	sshll.u32 s29, $0x4;
	v5 =	vld [tilespmem:s24+$0x4380]  }
0xc2: {  	s28 =	simm.s32 $0x0;
	s15 =	simm.s32 $0x10;
	s26 =	sadd.s32 $0x0, s2;
	v12 =	vld [tilespmem:s24+$0xC080];
	v7 =	vsub.f32 v7, v2  }
.LBB2_4:
0xc3: {  	p0 =	sne.s32 s15, $0x7F0;
	v13 =	vld [tilespmem:s24+$0xC380];
	s14 =	sadd.s32 $0x80, s14;
	s28 =	sadd.s32 $0x1, s28  }
0xc4: {  	s16 =	smov.u32 s15;
	s15 =	sadd.s32 $0x10, s15;
	s2 =	sand.u32 $0x7, s28;
	v11 =	vsub.f32 v11, v9;
	v14 =	vld [tilespmem:s24+$0xC300]  }
0xc5: {  	v8 =	vsub.f32 v8, v4;
	s2 =	sshll.u32 s2, $0x4;
	v10 =	vsub.f32 v10, v6;
	v15 =	vld [tilespmem:s24+$0x4300]  }
0xc6: {  	s2 =	sadd.s32 s2, s14;
	v11 =	vmul.f32 $9.999999740e-06, v11  }
0xc7: {  	v8 =	vmul.f32 $9.999999740e-06, v8;
	v12 =	vsub.f32 v12, v3;
	v10 =	vmul.f32 $9.999999740e-06, v10  }
0xc8: {  	v9 =	vadd.f32 v11, v9;
	v11 =	vsub.f32 v13, v5  }
0xc9: {  	v4 =	vadd.f32 v8, v4;
	v12 =	vmul.f32 $9.999999740e-06, v12;
	v6 =	vadd.f32 v10, v6  }
0xca: {  	v7 =	vmul.f32 $9.999999740e-06, v7;
	[tilespmem:s24+$0x14100] =	vst v9;
	v8 =	vsub.f32 v14, v15;
	v9 =	vmul.f32 $9.999999740e-06, v11  }
0xcb: {  	v3 =	vadd.f32 v12, v3;
	[tilespmem:s24+$0x14280] =	vst v6  }
0xcc: {  	v2 =	vadd.f32 v7, v2;
	[tilespmem:s24+$0x14180] =	vst v4;
	v4 =	vmul.f32 $9.999999740e-06, v8;
	v5 =	vadd.f32 v9, v5  }
0xcd: {  	[tilespmem:s24+$0x14080] =	vst v3  }
0xce: {  	[tilespmem:s24+$0x14200] =	vst v2;
	v2 =	vadd.f32 v4, v15  }
0xcf: {  	[tilespmem:s24+$0x14380] =	vst v5  }
0xd0: {  	s29 =	sor.u32 $0x4380, s26;
	s16 =	sand.u32 $0x70, s16;
	s17 =	sand.u32 $0x3C00, s14;
	[tilespmem:s24+$0x14300] =	vst v2  }
0xd1: {  	s26 =	smov.u32 s2;
	s24 =	sor.u32 s16, s17;
	v2 =	vld [tilespmem:s29+$0x80]  }
0xd2: {  	v3 =	vld [tilespmem:s29+$0x8080];
	_ =	sdelay $0x4  }
0xd3: {  	v3 =	vsub.f32 v3, v2;
	_ =	sdelay $0x1  }
0xd4: {  	v3 =	vmul.f32 $9.999999740e-06, v3;
	_ =	sdelay $0x1  }
0xd5: {  	v2 =	vadd.f32 v3, v2;
	_ =	sdelay $0x1  }
0xd6: {  	[tilespmem:s29+$0x10080] =	vst v2  }
0xd7: {  	v5 =	vld [tilespmem:s24+$0xC200]  }
0xd8: {  	v8 =	vld [tilespmem:s24+$0xC180]  }
0xd9: {  	v4 =	vld [tilespmem:s24+$0x4180]  }
0xda: {  	v10 =	vld [tilespmem:s24+$0xC280]  }
0xdb: {  	v2 =	vld [tilespmem:s24+$0x4200]  }
0xdc: {  	v11 =	vld [tilespmem:s24+$0xC100]  }
.Ltmp1:
0xdd: {  	v3 =	vld [tilespmem:s24+$0x4080];
	(pc) =	sbr.rel @p0 .LBB2_4-.Ltmp1, $4  }
0xde: {  	v9 =	vld [tilespmem:s24+$0x4100]  }
0xdf: {  	v6 =	vld [tilespmem:s24+$0x4280]  }
0xe0: {  	v7 =	vsub.f32 v5, v2;
	v5 =	vld [tilespmem:s24+$0x4380]  }
0xe1: {  	v12 =	vld [tilespmem:s24+$0xC080]  }
0xe2: {  	v13 =	vld [tilespmem:s24+$0xC380]  }
0xe3: {  	v14 =	vld [tilespmem:s24+$0xC300]  }
0xe4: {  	v15 =	vld [tilespmem:s24+$0x4300];
	v11 =	vsub.f32 v11, v9  }
0xe5: {  	v8 =	vsub.f32 v8, v4;
	v7 =	vmul.f32 $9.999999740e-06, v7  }
0xe6: {  	v10 =	vsub.f32 v10, v6;
	v11 =	vmul.f32 $9.999999740e-06, v11  }
0xe7: {  	v8 =	vmul.f32 $9.999999740e-06, v8;
	v2 =	vadd.f32 v7, v2;
	v12 =	vsub.f32 v12, v3  }
0xe8: {  	v10 =	vmul.f32 $9.999999740e-06, v10;
	v9 =	vadd.f32 v11, v9;
	v11 =	vsub.f32 v13, v5  }
0xe9: {  	v4 =	vadd.f32 v8, v4;
	[tilespmem:s24+$0x14200] =	vst v2;
	v8 =	vsub.f32 v14, v15;
	v12 =	vmul.f32 $9.999999740e-06, v12  }
0xea: {  	v6 =	vadd.f32 v10, v6;
	[tilespmem:s24+$0x14100] =	vst v9;
	v9 =	vmul.f32 $9.999999740e-06, v11  }
0xeb: {  	[tilespmem:s24+$0x14180] =	vst v4;
	v4 =	vmul.f32 $9.999999740e-06, v8;
	v3 =	vadd.f32 v12, v3  }
0xec: {  	[tilespmem:s24+$0x14280] =	vst v6;
	v5 =	vadd.f32 v9, v5  }
0xed: {  	v2 =	vadd.f32 v4, v15;
	[tilespmem:s24+$0x14080] =	vst v3  }
0xee: {  	[tilespmem:s24+$0x14380] =	vst v5  }
0xef: {  	s2 =	sor.u32 $0x4380, s26;
	[tilespmem:s24+$0x14300] =	vst v2  }
0xf0: {  	v2 =	vld [tilespmem:s2+$0x80]  }
0xf1: {  	v3 =	vld [tilespmem:s2+$0x8080];
	_ =	sdelay $0x4  }
0xf2: {  	v3 =	vsub.f32 v3, v2;
	_ =	sdelay $0x1  }
0xf3: {  	v3 =	vmul.f32 $9.999999740e-06, v3;
	_ =	sdelay $0x1  }
0xf4: {  	v2 =	vadd.f32 v3, v2;
	_ =	sdelay $0x1  }
0xf5: {  	s14 =	simm.s32 $0x0;
	s29 =	rddreg [dreg:$0xd];
	[tilespmem:s2+$0x10080] =	vst v2  }
0xf6: {  	[hbm4b:s29+s14] =	stream.linear.scatter [tilespmem:s4], [sflag:$0x6], $0x4000, $0x38;
	[tilespmem:$0x18080] =	vst v63  }
0xf7: {  	_ =	swait.ge [sflag:s21], $0x4000  }
0xf8: {  	[sflag:s21] =	ssyncset.done $0x0  }
0xf9: {  	[sflag:s21] =	ssyncadd.s32 $0xFFFFC000  }
0xfa: {  	v2 =	vld.msk [tilespmem:$0x18], $0xff;
	_ =	sdelay $0x4  }
0xfb: {  	v3 =	vshll.u32 v2, $0x4  }
0xfc: {  	v2 =	vand.u32 $0x7, v2;
	v3 =	vand.u32 $0xFFFFFF80, v3  }
0xfd: {  	v2 =	vor.u32 v2, v3  }
0xfe: {  	v2 =	vperm.xlane v2, v0;
	_ =	sdelay $0x1  }
0xff: {  	v2 =	vadd.s32 v1, v2;
	_ =	sdelay $0x3  }
0x100: {  	s15 =	simm.s32 $0x4080  }
0x101: {  	[tilespmem:s15], [sflag:$0x2] =	stream.indirect_vreg.gather [hbm4b:s1+s14], $0x80, v2, vm0, $0xb8;
	[tilespmem:$0x18080] =	vst v63  }
0x102: {  	s16 =	simm.s32 $0x4880  }
0x103: {  	[tilespmem:s16], [sflag:$0x2] =	stream.indirect_vreg.gather [hbm4b:s5+s14], $0x80, v2, vm0, $0xb8;
	[tilespmem:$0x18080] =	vst v63  }
0x104: {  	s17 =	simm.s32 $0x5080  }
0x105: {  	[tilespmem:s17], [sflag:$0x2] =	stream.indirect_vreg.gather [hbm4b:s6+s14], $0x80, v2, vm0, $0xb8;
	[tilespmem:$0x18080] =	vst v63  }
0x106: {  	s24 =	simm.s32 $0x5880  }
0x107: {  	[tilespmem:s24], [sflag:$0x2] =	stream.indirect_vreg.gather [hbm4b:s7+s14], $0x80, v2, vm0, $0xb8;
	[tilespmem:$0x18080] =	vst v63  }
0x108: {  	s26 =	simm.s32 $0x6080  }
0x109: {  	[tilespmem:s26], [sflag:$0x2] =	stream.indirect_vreg.gather [hbm4b:s8+s14], $0x80, v2, vm0, $0xb8;
	[tilespmem:$0x18080] =	vst v63  }
0x10a: {  	s29 =	simm.s32 $0x6880  }
0x10b: {  	[tilespmem:s29], [sflag:$0x2] =	stream.indirect_vreg.gather [hbm4b:s9+s14], $0x80, v2, vm0, $0xb8;
	[tilespmem:$0x18080] =	vst v63  }
0x10c: {  	s15 =	simm.s32 $0x7080  }
0x10d: {  	[tilespmem:s15], [sflag:$0x2] =	stream.indirect_vreg.gather [hbm4b:s10+s14], $0x80, v2, vm0, $0xb8;
	[tilespmem:$0x18080] =	vst v63  }
0x10e: {  	s16 =	simm.s32 $0x7880  }
0x10f: {  	[tilespmem:s16], [sflag:$0x2] =	stream.indirect_vreg.gather [hbm4b:s11+s14], $0x80, v2, vm0, $0xb8;
	[tilespmem:$0x18080] =	vst v63  }
0x110: {  	s17 =	rddreg [dreg:$0xe]  }
0x111: {  	[tilespmem:s30], [sflag:$0x4] =	stream.linear.gather [hbm4b:s17+s14], $0x4000, $0x38;
	[tilespmem:$0x18080] =	vst v63  }
0x112: {  	_ =	swait.ge [sflag:s22], $0x4000  }
0x113: {  	[sflag:s22] =	ssyncset.done $0x0  }
0x114: {  	[sflag:s22] =	ssyncadd.s32 $0xFFFFC000  }
0x115: {  	_ =	swait.ge [sflag:s18], $0x4000  }
0x116: {  	[sflag:s18] =	ssyncset.done $0x0  }
0x117: {  	[sflag:s18] =	ssyncadd.s32 $0xFFFFC000  }
0x118: {  	_ =	swait.ge [sflag:s31], $0x4000  }
0x119: {  	s26 =	sand.u32 $0x70, s14;
	[sflag:s31] =	ssyncset.done $0x0  }
0x11a: {  	s15 =	sand.u32 $0x3C00, s14;
	s24 =	rddreg [dreg:$0xf];
	[sflag:s31] =	ssyncadd.s32 $0xFFFFC000  }
0x11b: {  	[hbm4b:s24+s14] =	stream.linear.scatter [tilespmem:s12], [sflag:$0x7], $0x4000, $0x38;
	[tilespmem:$0x18080] =	vst v63  }
0x11c: {  	s24 =	sor.u32 s26, s15  }
0x11d: {  	v7 =	vld [tilespmem:s24+$0x8200]  }
0x11e: {  	v8 =	vld [tilespmem:s24+$0x8180]  }
0x11f: {  	v4 =	vld [tilespmem:s24+$0x180]  }
0x120: {  	v10 =	vld [tilespmem:s24+$0x8280]  }
0x121: {  	v2 =	vld [tilespmem:s24+$0x200]  }
0x122: {  	v11 =	vld [tilespmem:s24+$0x8100]  }
0x123: {  	v3 =	vld [tilespmem:s24+$0x80]  }
0x124: {  	v9 =	vld [tilespmem:s24+$0x100]  }
0x125: {  	s29 =	sand.u32 $0x7, s14;
	v6 =	vld [tilespmem:s24+$0x280]  }
0x126: {  	s2 =	sshll.u32 s29, $0x4;
	v5 =	vld [tilespmem:s24+$0x380]  }
0x127: {  	s28 =	simm.s32 $0x0;
	s15 =	simm.s32 $0x10;
	s26 =	sadd.s32 $0x0, s2;
	v12 =	vld [tilespmem:s24+$0x8080];
	v7 =	vsub.f32 v7, v2  }
.LBB2_6:
0x128: {  	p0 =	sne.s32 s15, $0x7F0;
	v13 =	vld [tilespmem:s24+$0x8380];
	s14 =	sadd.s32 $0x80, s14;
	s28 =	sadd.s32 $0x1, s28  }
0x129: {  	s16 =	smov.u32 s15;
	s15 =	sadd.s32 $0x10, s15;
	s2 =	sand.u32 $0x7, s28;
	v11 =	vsub.f32 v11, v9;
	v14 =	vld [tilespmem:s24+$0x8300]  }
0x12a: {  	v8 =	vsub.f32 v8, v4;
	s2 =	sshll.u32 s2, $0x4;
	v10 =	vsub.f32 v10, v6;
	v15 =	vld [tilespmem:s24+$0x300]  }
0x12b: {  	s2 =	sadd.s32 s2, s14;
	v11 =	vmul.f32 $9.999999740e-06, v11  }
0x12c: {  	v8 =	vmul.f32 $9.999999740e-06, v8;
	v12 =	vsub.f32 v12, v3;
	v10 =	vmul.f32 $9.999999740e-06, v10  }
0x12d: {  	v9 =	vadd.f32 v11, v9;
	v11 =	vsub.f32 v13, v5  }
0x12e: {  	v4 =	vadd.f32 v8, v4;
	v12 =	vmul.f32 $9.999999740e-06, v12;
	v6 =	vadd.f32 v10, v6  }
0x12f: {  	v7 =	vmul.f32 $9.999999740e-06, v7;
	[tilespmem:s24+$0x10100] =	vst v9;
	v8 =	vsub.f32 v14, v15;
	v9 =	vmul.f32 $9.999999740e-06, v11  }
0x130: {  	v3 =	vadd.f32 v12, v3;
	[tilespmem:s24+$0x10280] =	vst v6  }
0x131: {  	v2 =	vadd.f32 v7, v2;
	[tilespmem:s24+$0x10180] =	vst v4;
	v4 =	vmul.f32 $9.999999740e-06, v8;
	v5 =	vadd.f32 v9, v5  }
0x132: {  	[tilespmem:s24+$0x10080] =	vst v3  }
0x133: {  	[tilespmem:s24+$0x10200] =	vst v2;
	v2 =	vadd.f32 v4, v15  }
0x134: {  	[tilespmem:s24+$0x10380] =	vst v5  }
0x135: {  	s29 =	sor.u32 $0x380, s26;
	s16 =	sand.u32 $0x70, s16;
	s17 =	sand.u32 $0x3C00, s14;
	[tilespmem:s24+$0x10300] =	vst v2  }
0x136: {  	s26 =	smov.u32 s2;
	s24 =	sor.u32 s16, s17;
	v2 =	vld [tilespmem:s29+$0x80]  }
0x137: {  	v3 =	vld [tilespmem:s29+$0x8080];
	_ =	sdelay $0x4  }
0x138: {  	v3 =	vsub.f32 v3, v2;
	_ =	sdelay $0x1  }
0x139: {  	v3 =	vmul.f32 $9.999999740e-06, v3;
	_ =	sdelay $0x1  }
0x13a: {  	v2 =	vadd.f32 v3, v2;
	_ =	sdelay $0x1  }
0x13b: {  	[tilespmem:s29+$0x10080] =	vst v2  }
0x13c: {  	v5 =	vld [tilespmem:s24+$0x8200]  }
0x13d: {  	v8 =	vld [tilespmem:s24+$0x8180]  }
0x13e: {  	v4 =	vld [tilespmem:s24+$0x180]  }
0x13f: {  	v10 =	vld [tilespmem:s24+$0x8280]  }
0x140: {  	v2 =	vld [tilespmem:s24+$0x200]  }
0x141: {  	v11 =	vld [tilespmem:s24+$0x8100]  }
.Ltmp2:
0x142: {  	v3 =	vld [tilespmem:s24+$0x80];
	(pc) =	sbr.rel @p0 .LBB2_6-.Ltmp2, $4  }
0x143: {  	v9 =	vld [tilespmem:s24+$0x100]  }
0x144: {  	v6 =	vld [tilespmem:s24+$0x280]  }
0x145: {  	v7 =	vsub.f32 v5, v2;
	v5 =	vld [tilespmem:s24+$0x380]  }
0x146: {  	v12 =	vld [tilespmem:s24+$0x8080]  }
0x147: {  	v13 =	vld [tilespmem:s24+$0x8380]  }
0x148: {  	v14 =	vld [tilespmem:s24+$0x8300]  }
0x149: {  	v15 =	vld [tilespmem:s24+$0x300];
	v11 =	vsub.f32 v11, v9  }
0x14a: {  	v8 =	vsub.f32 v8, v4;
	v7 =	vmul.f32 $9.999999740e-06, v7  }
0x14b: {  	v10 =	vsub.f32 v10, v6;
	v11 =	vmul.f32 $9.999999740e-06, v11  }
0x14c: {  	v8 =	vmul.f32 $9.999999740e-06, v8;
	v2 =	vadd.f32 v7, v2;
	v12 =	vsub.f32 v12, v3  }
0x14d: {  	v10 =	vmul.f32 $9.999999740e-06, v10;
	v9 =	vadd.f32 v11, v9;
	v11 =	vsub.f32 v13, v5  }
0x14e: {  	v4 =	vadd.f32 v8, v4;
	[tilespmem:s24+$0x10200] =	vst v2;
	v8 =	vsub.f32 v14, v15;
	v12 =	vmul.f32 $9.999999740e-06, v12  }
0x14f: {  	v6 =	vadd.f32 v10, v6;
	[tilespmem:s24+$0x10100] =	vst v9;
	v9 =	vmul.f32 $9.999999740e-06, v11  }
0x150: {  	[tilespmem:s24+$0x10180] =	vst v4;
	v4 =	vmul.f32 $9.999999740e-06, v8;
	v3 =	vadd.f32 v12, v3  }
0x151: {  	[tilespmem:s24+$0x10280] =	vst v6;
	v5 =	vadd.f32 v9, v5  }
0x152: {  	v2 =	vadd.f32 v4, v15;
	[tilespmem:s24+$0x10080] =	vst v3  }
0x153: {  	[tilespmem:s24+$0x10380] =	vst v5  }
0x154: {  	s2 =	sor.u32 $0x380, s26;
	[tilespmem:s24+$0x10300] =	vst v2  }
0x155: {  	v2 =	vld [tilespmem:s2+$0x80]  }
0x156: {  	v3 =	vld [tilespmem:s2+$0x8080];
	_ =	sdelay $0x4  }
0x157: {  	v3 =	vsub.f32 v3, v2;
	_ =	sdelay $0x1  }
0x158: {  	v3 =	vmul.f32 $9.999999740e-06, v3;
	_ =	sdelay $0x1  }
0x159: {  	v2 =	vadd.f32 v3, v2;
	_ =	sdelay $0x1  }
0x15a: {  	s15 =	rddreg [dreg:$0x10];
	s14 =	simm.s32 $0x10080;
	s24 =	simm.s32 $0x0;
	[tilespmem:s2+$0x10080] =	vst v2  }
0x15b: {  	[hbm4b:s15+s24] =	stream.linear.scatter [tilespmem:s14], [sflag:$0x5], $0x4000, $0x38;
	[tilespmem:$0x18080] =	vst v63  }
0x15c: {  	_ =	swait.ge [sflag:s13], $0x4000  }
0x15d: {  	[sflag:s13] =	ssyncset.done $0x0  }
0x15e: {  	[sflag:s13] =	ssyncadd.s32 $0xFFFFC000  }
0x15f: {  	_ =	swait.ge [sflag:s0], $0x4000  }
0x160: {  	[sflag:s0] =	ssyncset.done $0x0  }
0x161: {  	[sflag:s0] =	ssyncadd.s32 $0xFFFFC000  }
0x162: {  	_ =	swait.ge [sflag:s20], $0x4000  }
0x163: {  	s17 =	sand.u32 $0x70, s24;
	s26 =	sand.u32 $0x3C00, s24;
	[sflag:s20] =	ssyncset.done $0x0  }
0x164: {  	s14 =	sor.u32 s17, s26;
	s16 =	rddreg [dreg:$0x11];
	[sflag:s20] =	ssyncadd.s32 $0xFFFFC000  }
0x165: {  	[hbm4b:s16+s24] =	stream.linear.scatter [tilespmem:s30], [sflag:$0x8], $0x4000, $0x38;
	[tilespmem:$0x18080] =	vst v63  }
0x166: {  	v7 =	vld [tilespmem:s14+$0xC200]  }
0x167: {  	v8 =	vld [tilespmem:s14+$0xC180]  }
0x168: {  	v4 =	vld [tilespmem:s14+$0x4180]  }
0x169: {  	v10 =	vld [tilespmem:s14+$0xC280]  }
0x16a: {  	v2 =	vld [tilespmem:s14+$0x4200]  }
0x16b: {  	v11 =	vld [tilespmem:s14+$0xC100]  }
0x16c: {  	v3 =	vld [tilespmem:s14+$0x4080]  }
0x16d: {  	v9 =	vld [tilespmem:s14+$0x4100]  }
0x16e: {  	s29 =	sand.u32 $0x7, s24;
	v6 =	vld [tilespmem:s14+$0x4280]  }
0x16f: {  	s2 =	sshll.u32 s29, $0x4;
	v5 =	vld [tilespmem:s14+$0x4380]  }
0x170: {  	s28 =	simm.s32 $0x0;
	s15 =	simm.s32 $0x10;
	s26 =	sadd.s32 $0x0, s2;
	v12 =	vld [tilespmem:s14+$0xC080];
	v7 =	vsub.f32 v7, v2  }
.LBB2_8:
0x171: {  	p0 =	sne.s32 s15, $0x7F0;
	v13 =	vld [tilespmem:s14+$0xC380];
	s24 =	sadd.s32 $0x80, s24;
	s28 =	sadd.s32 $0x1, s28  }
0x172: {  	s16 =	smov.u32 s15;
	s15 =	sadd.s32 $0x10, s15;
	s2 =	sand.u32 $0x7, s28;
	v11 =	vsub.f32 v11, v9;
	v14 =	vld [tilespmem:s14+$0xC300]  }
0x173: {  	v8 =	vsub.f32 v8, v4;
	s2 =	sshll.u32 s2, $0x4;
	v10 =	vsub.f32 v10, v6;
	v15 =	vld [tilespmem:s14+$0x4300]  }
0x174: {  	s2 =	sadd.s32 s2, s24;
	v11 =	vmul.f32 $9.999999740e-06, v11  }
0x175: {  	v8 =	vmul.f32 $9.999999740e-06, v8;
	v12 =	vsub.f32 v12, v3;
	v10 =	vmul.f32 $9.999999740e-06, v10  }
0x176: {  	v9 =	vadd.f32 v11, v9;
	v11 =	vsub.f32 v13, v5  }
0x177: {  	v4 =	vadd.f32 v8, v4;
	v12 =	vmul.f32 $9.999999740e-06, v12;
	v6 =	vadd.f32 v10, v6  }
0x178: {  	v7 =	vmul.f32 $9.999999740e-06, v7;
	[tilespmem:s14+$0x14100] =	vst v9;
	v8 =	vsub.f32 v14, v15;
	v9 =	vmul.f32 $9.999999740e-06, v11  }
0x179: {  	v3 =	vadd.f32 v12, v3;
	[tilespmem:s14+$0x14280] =	vst v6  }
0x17a: {  	v2 =	vadd.f32 v7, v2;
	[tilespmem:s14+$0x14180] =	vst v4;
	v4 =	vmul.f32 $9.999999740e-06, v8;
	v5 =	vadd.f32 v9, v5  }
0x17b: {  	[tilespmem:s14+$0x14080] =	vst v3  }
0x17c: {  	[tilespmem:s14+$0x14200] =	vst v2;
	v2 =	vadd.f32 v4, v15  }
0x17d: {  	[tilespmem:s14+$0x14380] =	vst v5  }
0x17e: {  	s29 =	sor.u32 $0x4380, s26;
	s16 =	sand.u32 $0x70, s16;
	s17 =	sand.u32 $0x3C00, s24;
	[tilespmem:s14+$0x14300] =	vst v2  }
0x17f: {  	s26 =	smov.u32 s2;
	s14 =	sor.u32 s16, s17;
	v2 =	vld [tilespmem:s29+$0x80]  }
0x180: {  	v3 =	vld [tilespmem:s29+$0x8080];
	_ =	sdelay $0x4  }
0x181: {  	v3 =	vsub.f32 v3, v2;
	_ =	sdelay $0x1  }
0x182: {  	v3 =	vmul.f32 $9.999999740e-06, v3;
	_ =	sdelay $0x1  }
0x183: {  	v2 =	vadd.f32 v3, v2;
	_ =	sdelay $0x1  }
0x184: {  	[tilespmem:s29+$0x10080] =	vst v2  }
0x185: {  	v5 =	vld [tilespmem:s14+$0xC200]  }
0x186: {  	v8 =	vld [tilespmem:s14+$0xC180]  }
0x187: {  	v4 =	vld [tilespmem:s14+$0x4180]  }
0x188: {  	v10 =	vld [tilespmem:s14+$0xC280]  }
0x189: {  	v2 =	vld [tilespmem:s14+$0x4200]  }
0x18a: {  	v11 =	vld [tilespmem:s14+$0xC100]  }
.Ltmp3:
0x18b: {  	v3 =	vld [tilespmem:s14+$0x4080];
	(pc) =	sbr.rel @p0 .LBB2_8-.Ltmp3, $4  }
0x18c: {  	v9 =	vld [tilespmem:s14+$0x4100]  }
0x18d: {  	v6 =	vld [tilespmem:s14+$0x4280]  }
0x18e: {  	v7 =	vsub.f32 v5, v2;
	v5 =	vld [tilespmem:s14+$0x4380]  }
0x18f: {  	v12 =	vld [tilespmem:s14+$0xC080]  }
0x190: {  	v13 =	vld [tilespmem:s14+$0xC380]  }
0x191: {  	v14 =	vld [tilespmem:s14+$0xC300]  }
0x192: {  	v15 =	vld [tilespmem:s14+$0x4300];
	v8 =	vsub.f32 v8, v4  }
0x193: {  	v7 =	vmul.f32 $9.999999740e-06, v7;
	v11 =	vsub.f32 v11, v9  }
0x194: {  	v10 =	vsub.f32 v10, v6;
	v8 =	vmul.f32 $9.999999740e-06, v8  }
0x195: {  	v2 =	vadd.f32 v7, v2;
	v11 =	vmul.f32 $9.999999740e-06, v11;
	v12 =	vsub.f32 v12, v3  }
0x196: {  	v10 =	vmul.f32 $9.999999740e-06, v10;
	v59 =	vadd.f32 v8, v4;
	v57 =	vsub.f32 v13, v5  }
0x197: {  	[tilespmem:s14+$0x14200] =	vst v2;
	v56 =	vadd.f32 v11, v9;
	v60 =	vsub.f32 v14, v15;
	v12 =	vmul.f32 $9.999999740e-06, v12  }
0x198: {  	v58 =	vadd.f32 v10, v6;
	[tilespmem:s14+$0x14180] =	vst v59;
	v61 =	vmul.f32 $9.999999740e-06, v57  }
0x199: {  	[tilespmem:s14+$0x14100] =	vst v56;
	v62 =	vmul.f32 $9.999999740e-06, v60;
	v3 =	vadd.f32 v12, v3  }
0x19a: {  	[tilespmem:s14+$0x14280] =	vst v58;
	v63 =	vadd.f32 v61, v5  }
0x19b: {  	v2 =	vadd.f32 v62, v15;
	[tilespmem:s14+$0x14080] =	vst v3  }
0x19c: {  	[tilespmem:s14+$0x14380] =	vst v63  }
0x19d: {  	s2 =	sor.u32 $0x4380, s26;
	[tilespmem:s14+$0x14300] =	vst v2  }
0x19e: {  	v2 =	vld [tilespmem:s2+$0x80]  }
0x19f: {  	v3 =	vld [tilespmem:s2+$0x8080];
	_ =	sdelay $0x4  }
0x1a0: {  	v3 =	vsub.f32 v3, v2;
	_ =	sdelay $0x1  }
0x1a1: {  	v3 =	vmul.f32 $9.999999740e-06, v3;
	_ =	sdelay $0x1  }
0x1a2: {  	v2 =	vadd.f32 v3, v2;
	_ =	sdelay $0x1  }
0x1a3: {  	s28 =	rddreg [dreg:$0x12];
	[tilespmem:s2+$0x10080] =	vst v2  }
0x1a4: {  	[hbm4b:s28+s3] =	stream.linear.scatter [tilespmem:s4], [sflag:$0x6], $0x4000, $0x38;
	[tilespmem:$0x18080] =	vst v63  }
0x1a5: {  	_ =	swait.ge [sflag:s22], $0x4000  }
0x1a6: {  	[sflag:s22] =	ssyncset.done $0x0  }
0x1a7: {  	[sflag:s22] =	ssyncadd.s32 $0xFFFFC000  }
0x1a8: {  	_ =	swait.ge [sflag:s13], $0x4000  }
0x1a9: {  	[sflag:s13] =	ssyncset.done $0x0  }
0x1aa: {  	[sflag:s13] =	ssyncadd.s32 $0xFFFFC000  }
0x1ab: {  	_ =	swait.ge [sflag:s19], $0x4000  }
0x1ac: {  	[sflag:s19] =	ssyncset.done $0x0  }
0x1ad: {  	[sflag:s19] =	ssyncadd.s32 $0xFFFFC000  }
0x1ae: {  	_ =	swait.ge [sflag:s21], $0x4000  }
0x1af: {  	s23 =	sadd.s32 $0x1, s23;
	s29 =	rddreg [dreg:$0x13]  }
0x1b0: {  	p0 =	sne.s32 s23, s29  }
.Ltmp4:
0x1b1: {  	_ = 	snop;
	(pc) =	sbr.rel @p0 .LBB2_1-.Ltmp4, $3  }
0x1b2: {  	_ =	sdelay $0x1  }
0x1b3: {  	[sflag:s21] =	ssyncset.done $0x0  }
0x1b4: {  	[sflag:s21] =	ssyncadd.s32 $0xFFFFC000  }
0x1b5: {  	_ =	sfence.sel $0x180000  }
0x1b6: {  	[bflag:$0x0] =	sbarrier.arrive $0xFFFF  }
0x1b7: {  	_ =	strace $0x90000047  }
0x1b8: {  	s0 =	stileid.u32;
	[bflag:$0x2] =	sbarrier.arrive $0xFFFF  }
0x1b9: {  	p0 =	sne.s32 s0, $0x0;
	s0 =	rddreg [dreg:$0x5]  }
0x1ba: {  	s0 =	sadd.s32 @!p0 $0x100000, s0  }
0x1bb: {  	[sflag:s0] =	ssyncadd.tile.s32 @!p0 $0x1;
	_ =	shalt  }
.Lfunc_end2:
_tile_overlayer_lowered:
.L_overlay_start_2:
0x1bc: {  	(tag) =	ssettag $0x2  }
0x1bd: {  	s0 =	rddreg [dreg:$0x0];
	s2 =	stileid.u32  }
0x1be: {  	s1 =	rddreg [dreg:$0x1];
	p0 =	sne.s32 s2, $0x0  }
0x1bf: {  	s3 =	rddreg [dreg:$0x2];
	[bflag:$0x3] =	sbarrier.arrive $0xFFFF;
	s2 =	simm.s32 @!p0 $0x1C09  }
0x1c0: {  	[timem:s3], [sflag:s2] =	dma.local @!p0 [hbm:s0], s1  }
0x1c1: {  	s0 =	simm.s32 @!p0 $0x9  }
0x1c2: {  	_ =	swait.ge @!p0 [sflag:s0], s1  }
0x1c3: {  	s1 =	ssub.s32 @!p0 $0x0, s1;
	[sflag:s0] =	ssyncset.done @!p0 $0x0  }
0x1c4: {  	[sflag:s0] =	ssyncadd.s32 @!p0 s1  }
0x1c5: {  	[bflag:$0x3] =	sbarrier.arrive $0xFFFF  }
0x1c6: {  	_ =	shalt  }

</sc_bundles>
